<compile_context>
chip_gen: v7x
topology: tpu7x:2x2x1
jax: 0.10.2.dev20260603
libtpu: 0.0.44.dev20260713+nightly
codegen_flags: <defaults>
</compile_context>

<pallas_src>
import functools

import jax
import jax.numpy as jnp
from jax import lax
from jax.experimental import pallas as pl
from jax.experimental.pallas import tpu as pltpu
from jax.experimental.pallas import tpu_sc as plsc

_NC = 2
_NS = 16
_NW = _NC * _NS


def _pick_chunk(per_worker: int, cap: int) -> int:
    for k in (40000, 25000, 20000, 10000, 8000, 6400, 5000, 4000, 3200, 2000,
              1600, 1000, 800, 500, 400, 250, 200, 125, 100, 64, 40, 32, 16, 8):
        if k <= cap and per_worker % k == 0 and k % 8 == 0:
            return k
    return 8


def _sc_deg(row, attr, np_pad):
    e = row.shape[0]
    ce = e // _NW
    k = _pick_chunk(ce, 40000)
    ntile = np_pad // _NS
    mesh = plsc.VectorSubcoreMesh(core_axis_name="c", subcore_axis_name="s")

    @functools.partial(
        pl.kernel,
        out_type=jax.ShapeDtypeStruct((_NC, np_pad), jnp.float32),
        mesh=mesh,
        scratch_types=[
            pltpu.VMEM_SHARED((np_pad,), jnp.float32),
            pltpu.VMEM((k,), jnp.int32),
            pltpu.VMEM((k,), jnp.float32),
            pltpu.VMEM((ntile,), jnp.float32),
        ],
    )
    def deg_kernel(row_h, attr_h, out_h, deg_sh, idx_v, val_v, zero_v):
        c = lax.axis_index("c")
        s = lax.axis_index("s")
        wid = c * _NS + s

        def zero_body(i, _):
            zero_v[pl.ds(i * 16, 16)] = jnp.zeros((16,), jnp.float32)
            return _

        lax.fori_loop(0, ntile // 16, zero_body, None, unroll=4)
        pltpu.sync_copy(zero_v, deg_sh.at[pl.ds(s * ntile, ntile)])
        plsc.subcore_barrier()

        def chunk_body(i, _):
            base = wid * ce + i * k
            pltpu.sync_copy(row_h.at[pl.ds(base, k)], idx_v)
            pltpu.sync_copy(attr_h.at[pl.ds(base, k)], val_v)
            pltpu.sync_copy(val_v, deg_sh.at[idx_v], add=True)
            return _

        lax.fori_loop(0, ce // k, chunk_body, None)
        plsc.subcore_barrier()
        pltpu.sync_copy(deg_sh.at[pl.ds(s * ntile, ntile)],
                        out_h.at[c, pl.ds(s * ntile, ntile)])

    return deg_kernel(row, attr)


def _sc_prop(row, col, attr, y0, y1, np_pad):
    e = row.shape[0]
    ce = e // _NW
    k = _pick_chunk(ce, 20000)
    ntile = np_pad // _NS
    mesh = plsc.VectorSubcoreMesh(core_axis_name="c", subcore_axis_name="s")

    @functools.partial(
        pl.kernel,
        out_type=jax.ShapeDtypeStruct((_NC, 2, np_pad), jnp.float32),
        mesh=mesh,
        scratch_types=[
            pltpu.VMEM_SHARED((np_pad,), jnp.float32),
            pltpu.VMEM_SHARED((np_pad,), jnp.float32),
            pltpu.VMEM_SHARED((np_pad,), jnp.float32),
            pltpu.VMEM_SHARED((np_pad,), jnp.float32),
            pltpu.VMEM((k,), jnp.int32),
            pltpu.VMEM((k,), jnp.int32),
            pltpu.VMEM((k,), jnp.float32),
            pltpu.VMEM((k,), jnp.float32),
            pltpu.VMEM((k,), jnp.float32),
        ],
    )
    def prop_kernel(row_h, col_h, attr_h, y0_h, y1_h, out_h,
                    y0_sh, y1_sh, z0_sh, z1_sh,
                    row_v, col_v, attr_v, g0_v, g1_v):
        c = lax.axis_index("c")
        s = lax.axis_index("s")
        wid = c * _NS + s
        tsl = pl.ds(s * ntile, ntile)

        pltpu.sync_copy(y0_h.at[tsl], y0_sh.at[tsl])
        pltpu.sync_copy(y1_h.at[tsl], y1_sh.at[tsl])

        def zero_body(i, _):
            g0_v[pl.ds(i * 16, 16)] = jnp.zeros((16,), jnp.float32)
            return _

        lax.fori_loop(0, k // 16, zero_body, None, unroll=4)
        pltpu.sync_copy(g0_v.at[pl.ds(0, ntile)], z0_sh.at[tsl])
        pltpu.sync_copy(g0_v.at[pl.ds(0, ntile)], z1_sh.at[tsl])
        plsc.subcore_barrier()

        def chunk_body(i, _):
            base = wid * ce + i * k
            pltpu.sync_copy(row_h.at[pl.ds(base, k)], row_v)
            pltpu.sync_copy(col_h.at[pl.ds(base, k)], col_v)
            pltpu.sync_copy(attr_h.at[pl.ds(base, k)], attr_v)
            pltpu.sync_copy(y0_sh.at[row_v], g0_v)
            pltpu.sync_copy(y1_sh.at[row_v], g1_v)

            def mul_body(i2, _2):
                sl = pl.ds(i2 * 16, 16)
                a = attr_v[sl]
                g0_v[sl] = g0_v[sl] * a
                g1_v[sl] = g1_v[sl] * a
                return _2

            lax.fori_loop(0, k // 16, mul_body, None, unroll=4)
            pltpu.sync_copy(g0_v, z0_sh.at[col_v], add=True)
            pltpu.sync_copy(g1_v, z1_sh.at[col_v], add=True)
            return _

        lax.fori_loop(0, ce // k, chunk_body, None)
        plsc.subcore_barrier()
        pltpu.sync_copy(z0_sh.at[tsl], out_h.at[c, 0, tsl])
        pltpu.sync_copy(z1_sh.at[tsl], out_h.at[c, 1, tsl])

    return prop_kernel(row, col, attr, y0, y1)


def _tc_prep(degp0, degp1, x0, x1):
    def body(d0_r, d1_r, x0_r, x1_r, dis_r, y0_r, y1_r):
        deg = d0_r[...] + d1_r[...]
        safe = jnp.where(deg > 0, deg, 1.0)
        dis = jnp.where(deg > 0, 1.0 / jnp.sqrt(safe), 0.0)
        dis_r[...] = dis
        y0_r[...] = dis * x0_r[...]
        y1_r[...] = dis * x1_r[...]

    shp = jax.ShapeDtypeStruct(degp0.shape, jnp.float32)
    return pl.pallas_call(body, out_shape=[shp, shp, shp])(degp0, degp1, x0, x1)


def _tc_mid(dis, z00, z01, z10, z11):
    def body(dis_r, z00_r, z01_r, z10_r, z11_r, t0_r, t1_r, y0_r, y1_r):
        dis = dis_r[...]
        t0 = -dis * (z00_r[...] + z10_r[...])
        t1 = -dis * (z01_r[...] + z11_r[...])
        t0_r[...] = t0
        t1_r[...] = t1
        y0_r[...] = dis * t0
        y1_r[...] = dis * t1

    shp = jax.ShapeDtypeStruct(dis.shape, jnp.float32)
    return pl.pallas_call(body, out_shape=[shp] * 4)(dis, z00, z01, z10, z11)


def _tc_final(x0, x1, xt, dis, t10, t11, z00, z01, z10, z11, params, n_valid):
    rows, lanes = x0.shape

    def body(x0_r, x1_r, xt_r, dis_r, t10_r, t11_r,
             z00_r, z01_r, z10_r, z11_r, p_r, out_r):
        dis = dis_r[...]
        tx00, tx01 = x0_r[...], x1_r[...]
        tx10, tx11 = t10_r[...], t11_r[...]
        tx20 = -2.0 * dis * (z00_r[...] + z10_r[...]) - tx00
        tx21 = -2.0 * dis * (z01_r[...] + z11_r[...]) - tx01

        def bf(v):
            return v.astype(jnp.bfloat16).astype(jnp.float32)

        def w(kk, d, c):
            return bf(p_r[kk * 4 + d * 2 + c])

        b00, b01 = bf(tx00), bf(tx01)
        b10, b11 = bf(tx10), bf(tx11)
        b20, b21 = bf(tx20), bf(tx21)
        h0 = (((b00 * w(0, 0, 0) + b01 * w(0, 1, 0))
               + (b10 * w(1, 0, 0) + b11 * w(1, 1, 0)))
              + (b20 * w(2, 0, 0) + b21 * w(2, 1, 0))) + p_r[12]
        h1 = (((b00 * w(0, 0, 1) + b01 * w(0, 1, 1))
               + (b10 * w(1, 0, 1) + b11 * w(1, 1, 1)))
              + (b20 * w(2, 0, 1) + b21 * w(2, 1, 1))) + p_r[13]
        h0 = jnp.maximum(h0, 0.0)
        h1 = jnp.maximum(h1, 0.0)
        u = (bf(xt_r[...]) * bf(p_r[14]) + bf(h0) * bf(p_r[15])
             + bf(h1) * bf(p_r[16])) + p_r[17]

        ridx = lax.broadcasted_iota(jnp.int32, (rows, lanes), 0)
        cidx = lax.broadcasted_iota(jnp.int32, (rows, lanes), 1)
        valid = (ridx * lanes + cidx) < n_valid
        um = jnp.where(valid, u, -jnp.inf)
        m = jnp.max(um)
        e = jnp.where(valid, jnp.exp(u - m), 0.0)
        out_r[...] = e / jnp.sum(e)

    vspec = pl.BlockSpec(memory_space=pltpu.VMEM)
    sspec = pl.BlockSpec(memory_space=pltpu.SMEM)
    return pl.pallas_call(
        body,
        in_specs=[vspec] * 10 + [sspec],
        out_specs=vspec,
        out_shape=jax.ShapeDtypeStruct((rows, lanes), jnp.float32),
    )(x0, x1, xt, dis, t10, t11, z00, z01, z10, z11, params)


def kernel(x, edge_index, edge_attr, cheb_w, cheb_b, W, b):
    n = x.shape[0]
    np_pad = ((n + 1023) // 1024) * 1024
    r = np_pad // 128
    row = edge_index[0]
    col = edge_index[1]

    xp = jnp.pad(x, ((0, np_pad - n), (0, 0)))
    x0 = xp[:, 0].reshape(r, 128)
    x1 = xp[:, 1].reshape(r, 128)
    xt = xp[:, 2].reshape(r, 128)

    degp = _sc_deg(row, edge_attr, np_pad)
    dis, y00, y01 = _tc_prep(degp[0].reshape(r, 128), degp[1].reshape(r, 128),
                             x0, x1)

    z1 = _sc_prop(row, col, edge_attr, y00.reshape(np_pad),
                  y01.reshape(np_pad), np_pad)
    t10, t11, y10, y11 = _tc_mid(
        dis,
        z1[0, 0].reshape(r, 128), z1[0, 1].reshape(r, 128),
        z1[1, 0].reshape(r, 128), z1[1, 1].reshape(r, 128))

    z2 = _sc_prop(row, col, edge_attr, y10.reshape(np_pad),
                  y11.reshape(np_pad), np_pad)

    params = jnp.concatenate([cheb_w.reshape(-1), cheb_b, W, b]).astype(jnp.float32)
    res = _tc_final(
        x0, x1, xt, dis, t10, t11,
        z2[0, 0].reshape(r, 128), z2[0, 1].reshape(r, 128),
        z2[1, 0].reshape(r, 128), z2[1, 1].reshape(r, 128),
        params, n)
    return res.reshape(np_pad)[:n]

# --- scband reference (transcript-rebuilt; emitter-appended) ---
"""Pipeline reference for scband-net-45810121179577 (READ-ONLY COPY).

The authoritative reference and input builder live on the scoring server;
editing this copy changes nothing except your own understanding.
"""

import jax, jax.numpy as jnp
import numpy as np

N = 100000
E = 6400000
K = 3

def setup_inputs(seed: int = 0):
    key = jax.random.key(seed)
    ks = jax.random.split(key, 6)
    x = jax.random.normal(ks[0], (N, 3), dtype=jnp.float32)
    edge_index = jax.random.randint(ks[1], (2, E), 0, N, dtype=jnp.int32)
    edge_attr = jax.random.uniform(ks[2], (E,), dtype=jnp.float32)
    cheb_w = jax.random.normal(ks[3], (K, 2, 2), dtype=jnp.float32) * 0.5
    cheb_b = jnp.zeros((2,), dtype=jnp.float32)
    W = jax.random.uniform(ks[4], (3,), dtype=jnp.float32)
    b = jnp.zeros((1,), dtype=jnp.float32)
    return {"x": x, "edge_index": edge_index, "edge_attr": edge_attr,
            "cheb_w": cheb_w, "cheb_b": cheb_b, "W": W, "b": b}


def _cheb_norm(edge_index, edge_weight, num_nodes):
    # PyG ChebConv norm with normalization='sym', lambda_max=2.0:
    # L_tilde = (2/lambda_max) * (I - D^{-1/2} A D^{-1/2}) - I = -D^{-1/2} A D^{-1/2}
    # (diagonal entries cancel to 0), so only off-diagonal normalized weights remain.
    row, col = edge_index[0], edge_index[1]
    deg = jnp.zeros((num_nodes,), edge_weight.dtype).at[row].add(edge_weight)
    safe_deg = jnp.where(deg > 0, deg, 1.0)
    deg_inv_sqrt = jnp.where(deg > 0, 1.0 / jnp.sqrt(safe_deg), 0.0)
    norm = -deg_inv_sqrt[row] * edge_weight * deg_inv_sqrt[col]
    return norm


def _propagate(edge_index, norm, x):
    # message = norm * x_j (source), scatter-add at target (col)
    row, col = edge_index[0], edge_index[1]
    msg = norm[:, None] * x[row]
    return jnp.zeros_like(x).at[col].add(msg)


def reference(x, edge_index, edge_attr, cheb_w, cheb_b, W, b):
    x_turn = x[:, 2]
    x_tc = x[:, :2]
    norm = _cheb_norm(edge_index, edge_attr, x.shape[0])
    # Chebyshev recursion: Tx0 = x, Tx1 = L~ x, Tx2 = 2 L~ Tx1 - Tx0
    Tx0 = x_tc
    out = Tx0 @ cheb_w[0]
    Tx1 = _propagate(edge_index, norm, Tx0)
    out = out + Tx1 @ cheb_w[1]
    Tx2 = 2.0 * _propagate(edge_index, norm, Tx1) - Tx0
    out = out + Tx2 @ cheb_w[2]
    out = out + cheb_b
    x_hidden = jax.nn.relu(out)
    x_lin = jnp.column_stack((x_turn, x_hidden))
    u = x_lin @ W + b
    return jax.nn.softmax(u, axis=0)

if __name__ == "__main__":
    import jax
    _d = setup_inputs()
    print(jax.jit(kernel)(*tuple(_d.values())))

</pallas_src>

<mosaic_0001>
#map = affine_map<(d0, d1) -> (0)>
#map1 = affine_map<(d0, d1) -> (0, 0)>
module attributes {stable_mosaic.version = 14 : i64} {
  func.func @deg_kernel(%arg0: i32, %arg1: i32, %arg2: memref<6400000xi32, #tpu.memory_space<hbm>>, %arg3: memref<6400000xf32, #tpu.memory_space<hbm>>, %arg4: memref<2x100352xf32, #tpu.memory_space<hbm>>, %arg5: memref<100352xf32, #tpu.memory_space<vmem_shared>>, %arg6: memref<40000xi32, #tpu.memory_space<vmem>>, %arg7: memref<40000xf32, #tpu.memory_space<vmem>>, %arg8: memref<6272xf32, #tpu.memory_space<vmem>>) attributes {dimension_semantics = [#tpu.dimension_semantics<core_parallel>, #tpu.dimension_semantics<subcore_parallel>], iteration_bounds = array<i64: 2, 16>, scalar_prefetch = 0 : i64, scratch_operands = 4 : i64, tpu.core_type = #tpu.core_type<sc_vector_subcore>, window_params = [{transform_indices = #map}, {transform_indices = #map}, {transform_indices = #map1}]} {
    %mul3A = arith.constant 16 : i32
    %mul3A_0 = arith.muli %arg0, %mul3A : i32
    %add3A = arith.addi %mul3A_0, %arg1 : i32
    %scan3A = arith.constant 0 : i32
    %scan3A_1 = arith.constant 392 : i32
    %scan3A_2 = arith.addi %scan3A, %scan3A_1 : i32
    %scan3A_3 = arith.constant 4 : i32
    scf.for %scan3A_17 = %scan3A to %scan3A_2 step %scan3A_3  : i32 {
      %broadcast_in_dim3A = arith.constant 0.000000e+00 : f32
      %broadcast_in_dim3A_18 = vector.broadcast %broadcast_in_dim3A : f32 to vector<16xf32>
      %mul3A_19 = arith.constant 16 : i32
      %mul3A_20 = arith.muli %scan3A_17, %mul3A_19 : i32
      %swap3A = arith.index_cast %mul3A_20 : i32 to index
      %swap3A_21 = tpu.vector_load %arg8[%swap3A] {strides = array<i32>} : memref<6272xf32, #tpu.memory_space<vmem>>, vector<16xf32>,
      %swap3A_22 = vector.shape_cast %swap3A_21 : vector<16xf32> to vector<16xf32>
      %swap3A_23 = vector.shape_cast %broadcast_in_dim3A_18 : vector<16xf32> to vector<16xf32>
      tpu.vector_store %arg8[%swap3A], %swap3A_23 {strides = array<i32>} : memref<6272xf32, #tpu.memory_space<vmem>>, vector<16xf32>,
      %scan3A_24 = arith.constant 1 : i32
      %scan3A_25 = arith.addi %scan3A_17, %scan3A_24 : i32
      %broadcast_in_dim3A_26 = arith.constant 0.000000e+00 : f32
      %broadcast_in_dim3A_27 = vector.broadcast %broadcast_in_dim3A_26 : f32 to vector<16xf32>
      %mul3A_28 = arith.constant 16 : i32
      %mul3A_29 = arith.muli %scan3A_25, %mul3A_28 : i32
      %swap3A_30 = arith.index_cast %mul3A_29 : i32 to index
      %swap3A_31 = tpu.vector_load %arg8[%swap3A_30] {strides = array<i32>} : memref<6272xf32, #tpu.memory_space<vmem>>, vector<16xf32>,
      %swap3A_32 = vector.shape_cast %swap3A_31 : vector<16xf32> to vector<16xf32>
      %swap3A_33 = vector.shape_cast %broadcast_in_dim3A_27 : vector<16xf32> to vector<16xf32>
      tpu.vector_store %arg8[%swap3A_30], %swap3A_33 {strides = array<i32>} : memref<6272xf32, #tpu.memory_space<vmem>>, vector<16xf32>,
      %scan3A_34 = arith.constant 2 : i32
      %scan3A_35 = arith.addi %scan3A_17, %scan3A_34 : i32
      %broadcast_in_dim3A_36 = arith.constant 0.000000e+00 : f32
      %broadcast_in_dim3A_37 = vector.broadcast %broadcast_in_dim3A_36 : f32 to vector<16xf32>
      %mul3A_38 = arith.constant 16 : i32
      %mul3A_39 = arith.muli %scan3A_35, %mul3A_38 : i32
      %swap3A_40 = arith.index_cast %mul3A_39 : i32 to index
      %swap3A_41 = tpu.vector_load %arg8[%swap3A_40] {strides = array<i32>} : memref<6272xf32, #tpu.memory_space<vmem>>, vector<16xf32>,
      %swap3A_42 = vector.shape_cast %swap3A_41 : vector<16xf32> to vector<16xf32>
      %swap3A_43 = vector.shape_cast %broadcast_in_dim3A_37 : vector<16xf32> to vector<16xf32>
      tpu.vector_store %arg8[%swap3A_40], %swap3A_43 {strides = array<i32>} : memref<6272xf32, #tpu.memory_space<vmem>>, vector<16xf32>,
      %scan3A_44 = arith.constant 3 : i32
      %scan3A_45 = arith.addi %scan3A_17, %scan3A_44 : i32
      %broadcast_in_dim3A_46 = arith.constant 0.000000e+00 : f32
      %broadcast_in_dim3A_47 = vector.broadcast %broadcast_in_dim3A_46 : f32 to vector<16xf32>
      %mul3A_48 = arith.constant 16 : i32
      %mul3A_49 = arith.muli %scan3A_45, %mul3A_48 : i32
      %swap3A_50 = arith.index_cast %mul3A_49 : i32 to index
      %swap3A_51 = tpu.vector_load %arg8[%swap3A_50] {strides = array<i32>} : memref<6272xf32, #tpu.memory_space<vmem>>, vector<16xf32>,
      %swap3A_52 = vector.shape_cast %swap3A_51 : vector<16xf32> to vector<16xf32>
      %swap3A_53 = vector.shape_cast %broadcast_in_dim3A_47 : vector<16xf32> to vector<16xf32>
      tpu.vector_store %arg8[%swap3A_50], %swap3A_53 {strides = array<i32>} : memref<6272xf32, #tpu.memory_space<vmem>>, vector<16xf32>,
    }
    %scan3A_4 = arith.constant 392 : i32
    %mul3A_5 = arith.constant 6272 : i32
    %mul3A_6 = arith.muli %arg1, %mul3A_5 : i32
    "tpu.region"() ({
      %run_scoped3A = tpu.sem_alloc : memref<!tpu.dma_semaphore, #tpu.memory_space<semaphore_mem>>
      %dma_start3A = tpu.memref_slice %arg5[%mul3A_6] : memref<100352xf32, #tpu.memory_space<vmem_shared>> -> memref<6272xf32, #tpu.memory_space<vmem_shared>>
      %dma_start3A_17 = tpu.memref_slice %arg5[%mul3A_6] : memref<100352xf32, #tpu.memory_space<vmem_shared>> -> memref<6272xf32, #tpu.memory_space<vmem_shared>>
      tpu.enqueue_dma source(%arg8 : memref<6272xf32, #tpu.memory_space<vmem>>) target(%dma_start3A_17 : memref<6272xf32, #tpu.memory_space<vmem_shared>>) target_semaphore(%run_scoped3A : memref<!tpu.dma_semaphore, #tpu.memory_space<semaphore_mem>>)
      %dma_wait3A = tpu.memref_slice %arg5[%mul3A_6] : memref<100352xf32, #tpu.memory_space<vmem_shared>> -> memref<6272xf32, #tpu.memory_space<vmem_shared>>
      %dma_wait3A_18 = tpu.memref_slice %arg5[%mul3A_6] : memref<100352xf32, #tpu.memory_space<vmem_shared>> -> memref<6272xf32, #tpu.memory_space<vmem_shared>>
      tpu.wait_dma2 semaphore(%run_scoped3A : memref<!tpu.dma_semaphore, #tpu.memory_space<semaphore_mem>>) src(%arg8 : memref<6272xf32, #tpu.memory_space<vmem>>) dst(%dma_wait3A_18 : memref<6272xf32, #tpu.memory_space<vmem_shared>>)
      tpu.yield
    }) : () -> ()
    %barrier3A = arith.constant 0 : index
    tpu.barrier barrier_id(%barrier3A)
    %scan3A_7 = arith.constant 0 : i32
    %scan3A_8 = arith.constant 5 : i32
    %scan3A_9 = arith.addi %scan3A_7, %scan3A_8 : i32
    %scan3A_10 = arith.constant 1 : i32
    scf.for %scan3A_17 = %scan3A_7 to %scan3A_9 step %scan3A_10  : i32 {
      %mul3A_18 = arith.constant 200000 : i32
      %mul3A_19 = arith.muli %add3A, %mul3A_18 : i32
      %mul3A_20 = arith.constant 40000 : i32
      %mul3A_21 = arith.muli %scan3A_17, %mul3A_20 : i32
      %add3A_22 = arith.addi %mul3A_19, %mul3A_21 : i32
      "tpu.region"() ({
        %run_scoped3A = tpu.sem_alloc : memref<!tpu.dma_semaphore, #tpu.memory_space<semaphore_mem>>
        %dma_start3A = tpu.memref_slice %arg2[%add3A_22] : memref<6400000xi32, #tpu.memory_space<hbm>> -> memref<40000xi32, #tpu.memory_space<hbm>>
        %dma_start3A_23 = tpu.memref_slice %arg2[%add3A_22] : memref<6400000xi32, #tpu.memory_space<hbm>> -> memref<40000xi32, #tpu.memory_space<hbm>>
        tpu.enqueue_dma source(%dma_start3A_23 : memref<40000xi32, #tpu.memory_space<hbm>>) target(%arg6 : memref<40000xi32, #tpu.memory_space<vmem>>) target_semaphore(%run_scoped3A : memref<!tpu.dma_semaphore, #tpu.memory_space<semaphore_mem>>)
        %dma_wait3A = tpu.memref_slice %arg2[%add3A_22] : memref<6400000xi32, #tpu.memory_space<hbm>> -> memref<40000xi32, #tpu.memory_space<hbm>>
        %dma_wait3A_24 = tpu.memref_slice %arg2[%add3A_22] : memref<6400000xi32, #tpu.memory_space<hbm>> -> memref<40000xi32, #tpu.memory_space<hbm>>
        tpu.wait_dma2 semaphore(%run_scoped3A : memref<!tpu.dma_semaphore, #tpu.memory_space<semaphore_mem>>) src(%dma_wait3A_24 : memref<40000xi32, #tpu.memory_space<hbm>>) dst(%arg6 : memref<40000xi32, #tpu.memory_space<vmem>>)
        tpu.yield
      }) : () -> ()
      "tpu.region"() ({
        %run_scoped3A = tpu.sem_alloc : memref<!tpu.dma_semaphore, #tpu.memory_space<semaphore_mem>>
        %dma_start3A = tpu.memref_slice %arg3[%add3A_22] : memref<6400000xf32, #tpu.memory_space<hbm>> -> memref<40000xf32, #tpu.memory_space<hbm>>
        %dma_start3A_23 = tpu.memref_slice %arg3[%add3A_22] : memref<6400000xf32, #tpu.memory_space<hbm>> -> memref<40000xf32, #tpu.memory_space<hbm>>
        tpu.enqueue_dma source(%dma_start3A_23 : memref<40000xf32, #tpu.memory_space<hbm>>) target(%arg7 : memref<40000xf32, #tpu.memory_space<vmem>>) target_semaphore(%run_scoped3A : memref<!tpu.dma_semaphore, #tpu.memory_space<semaphore_mem>>)
        %dma_wait3A = tpu.memref_slice %arg3[%add3A_22] : memref<6400000xf32, #tpu.memory_space<hbm>> -> memref<40000xf32, #tpu.memory_space<hbm>>
        %dma_wait3A_24 = tpu.memref_slice %arg3[%add3A_22] : memref<6400000xf32, #tpu.memory_space<hbm>> -> memref<40000xf32, #tpu.memory_space<hbm>>
        tpu.wait_dma2 semaphore(%run_scoped3A : memref<!tpu.dma_semaphore, #tpu.memory_space<semaphore_mem>>) src(%dma_wait3A_24 : memref<40000xf32, #tpu.memory_space<hbm>>) dst(%arg7 : memref<40000xf32, #tpu.memory_space<vmem>>)
        tpu.yield
      }) : () -> ()
      "tpu.region"() ({
        %run_scoped3A = tpu.sem_alloc : memref<!tpu.dma_semaphore, #tpu.memory_space<semaphore_mem>>
        %dma_start3A = arith.constant 0 : i32
        %dma_start3A_23 = tpu.memref_slice %arg5[%dma_start3A] : memref<100352xf32, #tpu.memory_space<vmem_shared>> -> memref<100352xf32, #tpu.memory_space<vmem_shared>>
        tpu.enqueue_indirect_dma source(%arg7 : memref<40000xf32, #tpu.memory_space<vmem>>) target(%dma_start3A_23 : memref<100352xf32, #tpu.memory_space<vmem_shared>>) offsets(%arg6 : memref<40000xi32, #tpu.memory_space<vmem>>) semaphore(%run_scoped3A : memref<!tpu.dma_semaphore, #tpu.memory_space<semaphore_mem>>) {add = true}
        %dma_wait3A = arith.constant 0 : i32
        %dma_wait3A_24 = tpu.memref_slice %arg5[%dma_wait3A] : memref<100352xf32, #tpu.memory_space<vmem_shared>> -> memref<100352xf32, #tpu.memory_space<vmem_shared>>
        tpu.wait_indirect_dma semaphore(%run_scoped3A : memref<!tpu.dma_semaphore, #tpu.memory_space<semaphore_mem>>) src(%arg7 : memref<40000xf32, #tpu.memory_space<vmem>>) dst(%dma_wait3A_24 : memref<100352xf32, #tpu.memory_space<vmem_shared>>)
        tpu.yield
      }) : () -> ()
    }
    %scan3A_11 = arith.constant 5 : i32
    %barrier3A_12 = arith.constant 0 : index
    tpu.barrier barrier_id(%barrier3A_12)
    %mul3A_13 = arith.constant 6272 : i32
    %mul3A_14 = arith.muli %arg1, %mul3A_13 : i32
    %mul3A_15 = arith.constant 6272 : i32
    %mul3A_16 = arith.muli %arg1, %mul3A_15 : i32
    "tpu.region"() ({
      %run_scoped3A = tpu.sem_alloc : memref<!tpu.dma_semaphore, #tpu.memory_space<semaphore_mem>>
      %dma_start3A = tpu.memref_slice %arg4[%arg0, %mul3A_16] : memref<2x100352xf32, #tpu.memory_space<hbm>> -> memref<1x6272xf32, #tpu.memory_space<hbm>>
      %dma_start3A_17 = tpu.memref_squeeze %dma_start3A : memref<1x6272xf32, #tpu.memory_space<hbm>> -> memref<6272xf32, #tpu.memory_space<hbm>>
      %dma_start3A_18 = tpu.memref_slice %arg5[%mul3A_14] : memref<100352xf32, #tpu.memory_space<vmem_shared>> -> memref<6272xf32, #tpu.memory_space<vmem_shared>>
      tpu.enqueue_dma source(%dma_start3A_18 : memref<6272xf32, #tpu.memory_space<vmem_shared>>) target(%dma_start3A_17 : memref<6272xf32, #tpu.memory_space<hbm>>) target_semaphore(%run_scoped3A : memref<!tpu.dma_semaphore, #tpu.memory_space<semaphore_mem>>)
      %dma_wait3A = tpu.memref_slice %arg4[%arg0, %mul3A_16] : memref<2x100352xf32, #tpu.memory_space<hbm>> -> memref<1x6272xf32, #tpu.memory_space<hbm>>
      %dma_wait3A_19 = tpu.memref_squeeze %dma_wait3A : memref<1x6272xf32, #tpu.memory_space<hbm>> -> memref<6272xf32, #tpu.memory_space<hbm>>
      %dma_wait3A_20 = tpu.memref_slice %arg5[%mul3A_14] : memref<100352xf32, #tpu.memory_space<vmem_shared>> -> memref<6272xf32, #tpu.memory_space<vmem_shared>>
      tpu.wait_dma2 semaphore(%run_scoped3A : memref<!tpu.dma_semaphore, #tpu.memory_space<semaphore_mem>>) src(%dma_wait3A_20 : memref<6272xf32, #tpu.memory_space<vmem_shared>>) dst(%dma_wait3A_19 : memref<6272xf32, #tpu.memory_space<hbm>>)
      tpu.yield
    }) : () -> ()
    return
  }
}

#map = affine_map<(d0, d1) -> (0)>
#map1 = affine_map<(d0, d1) -> (0, 0, 0)>
module attributes {stable_mosaic.version = 14 : i64} {
  func.func @prop_kernel(%arg0: i32, %arg1: i32, %arg2: memref<6400000xi32, #tpu.memory_space<hbm>>, %arg3: memref<6400000xi32, #tpu.memory_space<hbm>>, %arg4: memref<6400000xf32, #tpu.memory_space<hbm>>, %arg5: memref<100352xf32, #tpu.memory_space<hbm>>, %arg6: memref<100352xf32, #tpu.memory_space<hbm>>, %arg7: memref<2x2x100352xf32, #tpu.memory_space<hbm>>, %arg8: memref<100352xf32, #tpu.memory_space<vmem_shared>>, %arg9: memref<100352xf32, #tpu.memory_space<vmem_shared>>, %arg10: memref<100352xf32, #tpu.memory_space<vmem_shared>>, %arg11: memref<100352xf32, #tpu.memory_space<vmem_shared>>, %arg12: memref<20000xi32, #tpu.memory_space<vmem>>, %arg13: memref<20000xi32, #tpu.memory_space<vmem>>, %arg14: memref<20000xf32, #tpu.memory_space<vmem>>, %arg15: memref<20000xf32, #tpu.memory_space<vmem>>, %arg16: memref<20000xf32, #tpu.memory_space<vmem>>) attributes {dimension_semantics = [#tpu.dimension_semantics<core_parallel>, #tpu.dimension_semantics<subcore_parallel>], iteration_bounds = array<i64: 2, 16>, scalar_prefetch = 0 : i64, scratch_operands = 9 : i64, tpu.core_type = #tpu.core_type<sc_vector_subcore>, window_params = [{transform_indices = #map}, {transform_indices = #map}, {transform_indices = #map}, {transform_indices = #map}, {transform_indices = #map}, {transform_indices = #map1}]} {
    %mul3A = arith.constant 16 : i32
    %mul3A_0 = arith.muli %arg0, %mul3A : i32
    %add3A = arith.addi %mul3A_0, %arg1 : i32
    %mul3A_1 = arith.constant 6272 : i32
    %mul3A_2 = arith.muli %arg1, %mul3A_1 : i32
    "tpu.region"() ({
      %run_scoped3A_32 = tpu.sem_alloc : memref<!tpu.dma_semaphore, #tpu.memory_space<semaphore_mem>>
      %dma_start3A = tpu.memref_slice %arg8[%mul3A_2] : memref<100352xf32, #tpu.memory_space<vmem_shared>> -> memref<6272xf32, #tpu.memory_space<vmem_shared>>
      %dma_start3A_33 = tpu.memref_slice %arg5[%mul3A_2] : memref<100352xf32, #tpu.memory_space<hbm>> -> memref<6272xf32, #tpu.memory_space<hbm>>
      tpu.enqueue_dma source(%dma_start3A_33 : memref<6272xf32, #tpu.memory_space<hbm>>) target(%dma_start3A : memref<6272xf32, #tpu.memory_space<vmem_shared>>) target_semaphore(%run_scoped3A_32 : memref<!tpu.dma_semaphore, #tpu.memory_space<semaphore_mem>>)
      %dma_wait3A = tpu.memref_slice %arg8[%mul3A_2] : memref<100352xf32, #tpu.memory_space<vmem_shared>> -> memref<6272xf32, #tpu.memory_space<vmem_shared>>
      %dma_wait3A_34 = tpu.memref_slice %arg5[%mul3A_2] : memref<100352xf32, #tpu.memory_space<hbm>> -> memref<6272xf32, #tpu.memory_space<hbm>>
      tpu.wait_dma2 semaphore(%run_scoped3A_32 : memref<!tpu.dma_semaphore, #tpu.memory_space<semaphore_mem>>) src(%dma_wait3A_34 : memref<6272xf32, #tpu.memory_space<hbm>>) dst(%dma_wait3A : memref<6272xf32, #tpu.memory_space<vmem_shared>>)
      tpu.yield
    }) : () -> ()
    "tpu.region"() ({
      %run_scoped3A_32 = tpu.sem_alloc : memref<!tpu.dma_semaphore, #tpu.memory_space<semaphore_mem>>
      %dma_start3A = tpu.memref_slice %arg9[%mul3A_2] : memref<100352xf32, #tpu.memory_space<vmem_shared>> -> memref<6272xf32, #tpu.memory_space<vmem_shared>>
      %dma_start3A_33 = tpu.memref_slice %arg6[%mul3A_2] : memref<100352xf32, #tpu.memory_space<hbm>> -> memref<6272xf32, #tpu.memory_space<hbm>>
      tpu.enqueue_dma source(%dma_start3A_33 : memref<6272xf32, #tpu.memory_space<hbm>>) target(%dma_start3A : memref<6272xf32, #tpu.memory_space<vmem_shared>>) target_semaphore(%run_scoped3A_32 : memref<!tpu.dma_semaphore, #tpu.memory_space<semaphore_mem>>)
      %dma_wait3A = tpu.memref_slice %arg9[%mul3A_2] : memref<100352xf32, #tpu.memory_space<vmem_shared>> -> memref<6272xf32, #tpu.memory_space<vmem_shared>>
      %dma_wait3A_34 = tpu.memref_slice %arg6[%mul3A_2] : memref<100352xf32, #tpu.memory_space<hbm>> -> memref<6272xf32, #tpu.memory_space<hbm>>
      tpu.wait_dma2 semaphore(%run_scoped3A_32 : memref<!tpu.dma_semaphore, #tpu.memory_space<semaphore_mem>>) src(%dma_wait3A_34 : memref<6272xf32, #tpu.memory_space<hbm>>) dst(%dma_wait3A : memref<6272xf32, #tpu.memory_space<vmem_shared>>)
      tpu.yield
    }) : () -> ()
    %scan3A = arith.constant 0 : i32
    %scan3A_3 = arith.constant 1248 : i32
    %scan3A_4 = arith.addi %scan3A, %scan3A_3 : i32
    %scan3A_5 = arith.constant 4 : i32
    scf.for %scan3A_32 = %scan3A to %scan3A_4 step %scan3A_5  : i32 {
      %broadcast_in_dim3A_33 = arith.constant 0.000000e+00 : f32
      %broadcast_in_dim3A_34 = vector.broadcast %broadcast_in_dim3A_33 : f32 to vector<16xf32>
      %mul3A_35 = arith.constant 16 : i32
      %mul3A_36 = arith.muli %scan3A_32, %mul3A_35 : i32
      %swap3A_37 = arith.index_cast %mul3A_36 : i32 to index
      %swap3A_38 = tpu.vector_load %arg15[%swap3A_37] {strides = array<i32>} : memref<20000xf32, #tpu.memory_space<vmem>>, vector<16xf32>,
      %swap3A_39 = vector.shape_cast %swap3A_38 : vector<16xf32> to vector<16xf32>
      %swap3A_40 = vector.shape_cast %broadcast_in_dim3A_34 : vector<16xf32> to vector<16xf32>
      tpu.vector_store %arg15[%swap3A_37], %swap3A_40 {strides = array<i32>} : memref<20000xf32, #tpu.memory_space<vmem>>, vector<16xf32>,
      %scan3A_41 = arith.constant 1 : i32
      %scan3A_42 = arith.addi %scan3A_32, %scan3A_41 : i32
      %broadcast_in_dim3A_43 = arith.constant 0.000000e+00 : f32
      %broadcast_in_dim3A_44 = vector.broadcast %broadcast_in_dim3A_43 : f32 to vector<16xf32>
      %mul3A_45 = arith.constant 16 : i32
      %mul3A_46 = arith.muli %scan3A_42, %mul3A_45 : i32
      %swap3A_47 = arith.index_cast %mul3A_46 : i32 to index
      %swap3A_48 = tpu.vector_load %arg15[%swap3A_47] {strides = array<i32>} : memref<20000xf32, #tpu.memory_space<vmem>>, vector<16xf32>,
      %swap3A_49 = vector.shape_cast %swap3A_48 : vector<16xf32> to vector<16xf32>
      %swap3A_50 = vector.shape_cast %broadcast_in_dim3A_44 : vector<16xf32> to vector<16xf32>
      tpu.vector_store %arg15[%swap3A_47], %swap3A_50 {strides = array<i32>} : memref<20000xf32, #tpu.memory_space<vmem>>, vector<16xf32>,
      %scan3A_51 = arith.constant 2 : i32
      %scan3A_52 = arith.addi %scan3A_32, %scan3A_51 : i32
      %broadcast_in_dim3A_53 = arith.constant 0.000000e+00 : f32
      %broadcast_in_dim3A_54 = vector.broadcast %broadcast_in_dim3A_53 : f32 to vector<16xf32>
      %mul3A_55 = arith.constant 16 : i32
      %mul3A_56 = arith.muli %scan3A_52, %mul3A_55 : i32
      %swap3A_57 = arith.index_cast %mul3A_56 : i32 to index
      %swap3A_58 = tpu.vector_load %arg15[%swap3A_57] {strides = array<i32>} : memref<20000xf32, #tpu.memory_space<vmem>>, vector<16xf32>,
      %swap3A_59 = vector.shape_cast %swap3A_58 : vector<16xf32> to vector<16xf32>
      %swap3A_60 = vector.shape_cast %broadcast_in_dim3A_54 : vector<16xf32> to vector<16xf32>
      tpu.vector_store %arg15[%swap3A_57], %swap3A_60 {strides = array<i32>} : memref<20000xf32, #tpu.memory_space<vmem>>, vector<16xf32>,
      %scan3A_61 = arith.constant 3 : i32
      %scan3A_62 = arith.addi %scan3A_32, %scan3A_61 : i32
      %broadcast_in_dim3A_63 = arith.constant 0.000000e+00 : f32
      %broadcast_in_dim3A_64 = vector.broadcast %broadcast_in_dim3A_63 : f32 to vector<16xf32>
      %mul3A_65 = arith.constant 16 : i32
      %mul3A_66 = arith.muli %scan3A_62, %mul3A_65 : i32
      %swap3A_67 = arith.index_cast %mul3A_66 : i32 to index
      %swap3A_68 = tpu.vector_load %arg15[%swap3A_67] {strides = array<i32>} : memref<20000xf32, #tpu.memory_space<vmem>>, vector<16xf32>,
      %swap3A_69 = vector.shape_cast %swap3A_68 : vector<16xf32> to vector<16xf32>
      %swap3A_70 = vector.shape_cast %broadcast_in_dim3A_64 : vector<16xf32> to vector<16xf32>
      tpu.vector_store %arg15[%swap3A_67], %swap3A_70 {strides = array<i32>} : memref<20000xf32, #tpu.memory_space<vmem>>, vector<16xf32>,
    }
    %scan3A_6 = arith.constant 1248 : i32
    %scan3A_7 = arith.addi %scan3A, %scan3A_6 : i32
    %broadcast_in_dim3A = arith.constant 0.000000e+00 : f32
    %broadcast_in_dim3A_8 = vector.broadcast %broadcast_in_dim3A : f32 to vector<16xf32>
    %mul3A_9 = arith.constant 16 : i32
    %mul3A_10 = arith.muli %scan3A_7, %mul3A_9 : i32
    %swap3A = arith.index_cast %mul3A_10 : i32 to index
    %swap3A_11 = tpu.vector_load %arg15[%swap3A] {strides = array<i32>} : memref<20000xf32, #tpu.memory_space<vmem>>, vector<16xf32>,
    %swap3A_12 = vector.shape_cast %swap3A_11 : vector<16xf32> to vector<16xf32>
    %swap3A_13 = vector.shape_cast %broadcast_in_dim3A_8 : vector<16xf32> to vector<16xf32>
    tpu.vector_store %arg15[%swap3A], %swap3A_13 {strides = array<i32>} : memref<20000xf32, #tpu.memory_space<vmem>>, vector<16xf32>,
    %scan3A_14 = arith.constant 1249 : i32
    %scan3A_15 = arith.addi %scan3A, %scan3A_14 : i32
    %broadcast_in_dim3A_16 = arith.constant 0.000000e+00 : f32
    %broadcast_in_dim3A_17 = vector.broadcast %broadcast_in_dim3A_16 : f32 to vector<16xf32>
    %mul3A_18 = arith.constant 16 : i32
    %mul3A_19 = arith.muli %scan3A_15, %mul3A_18 : i32
    %swap3A_20 = arith.index_cast %mul3A_19 : i32 to index
    %swap3A_21 = tpu.vector_load %arg15[%swap3A_20] {strides = array<i32>} : memref<20000xf32, #tpu.memory_space<vmem>>, vector<16xf32>,
    %swap3A_22 = vector.shape_cast %swap3A_21 : vector<16xf32> to vector<16xf32>
    %swap3A_23 = vector.shape_cast %broadcast_in_dim3A_17 : vector<16xf32> to vector<16xf32>
    tpu.vector_store %arg15[%swap3A_20], %swap3A_23 {strides = array<i32>} : memref<20000xf32, #tpu.memory_space<vmem>>, vector<16xf32>,
    %scan3A_24 = arith.constant 1250 : i32
    "tpu.region"() ({
      %run_scoped3A_32 = tpu.sem_alloc : memref<!tpu.dma_semaphore, #tpu.memory_space<semaphore_mem>>
      %dma_start3A = arith.constant 0 : i32
      %dma_start3A_33 = tpu.memref_slice %arg15[%dma_start3A] : memref<20000xf32, #tpu.memory_space<vmem>> -> memref<6272xf32, #tpu.memory_space<vmem>>
      %dma_start3A_34 = tpu.memref_slice %arg10[%mul3A_2] : memref<100352xf32, #tpu.memory_space<vmem_shared>> -> memref<6272xf32, #tpu.memory_space<vmem_shared>>
      %dma_start3A_35 = tpu.memref_slice %arg10[%mul3A_2] : memref<100352xf32, #tpu.memory_space<vmem_shared>> -> memref<6272xf32, #tpu.memory_space<vmem_shared>>
      %dma_start3A_36 = arith.constant 0 : i32
      %dma_start3A_37 = tpu.memref_slice %arg15[%dma_start3A_36] : memref<20000xf32, #tpu.memory_space<vmem>> -> memref<6272xf32, #tpu.memory_space<vmem>>
      tpu.enqueue_dma source(%dma_start3A_37 : memref<6272xf32, #tpu.memory_space<vmem>>) target(%dma_start3A_35 : memref<6272xf32, #tpu.memory_space<vmem_shared>>) target_semaphore(%run_scoped3A_32 : memref<!tpu.dma_semaphore, #tpu.memory_space<semaphore_mem>>)
      %dma_wait3A = arith.constant 0 : i32
      %dma_wait3A_38 = tpu.memref_slice %arg15[%dma_wait3A] : memref<20000xf32, #tpu.memory_space<vmem>> -> memref<6272xf32, #tpu.memory_space<vmem>>
      %dma_wait3A_39 = tpu.memref_slice %arg10[%mul3A_2] : memref<100352xf32, #tpu.memory_space<vmem_shared>> -> memref<6272xf32, #tpu.memory_space<vmem_shared>>
      %dma_wait3A_40 = tpu.memref_slice %arg10[%mul3A_2] : memref<100352xf32, #tpu.memory_space<vmem_shared>> -> memref<6272xf32, #tpu.memory_space<vmem_shared>>
      %dma_wait3A_41 = arith.constant 0 : i32
      %dma_wait3A_42 = tpu.memref_slice %arg15[%dma_wait3A_41] : memref<20000xf32, #tpu.memory_space<vmem>> -> memref<6272xf32, #tpu.memory_space<vmem>>
      tpu.wait_dma2 semaphore(%run_scoped3A_32 : memref<!tpu.dma_semaphore, #tpu.memory_space<semaphore_mem>>) src(%dma_wait3A_42 : memref<6272xf32, #tpu.memory_space<vmem>>) dst(%dma_wait3A_40 : memref<6272xf32, #tpu.memory_space<vmem_shared>>)
      tpu.yield
    }) : () -> ()
    "tpu.region"() ({
      %run_scoped3A_32 = tpu.sem_alloc : memref<!tpu.dma_semaphore, #tpu.memory_space<semaphore_mem>>
      %dma_start3A = arith.constant 0 : i32
      %dma_start3A_33 = tpu.memref_slice %arg15[%dma_start3A] : memref<20000xf32, #tpu.memory_space<vmem>> -> memref<6272xf32, #tpu.memory_space<vmem>>
      %dma_start3A_34 = tpu.memref_slice %arg11[%mul3A_2] : memref<100352xf32, #tpu.memory_space<vmem_shared>> -> memref<6272xf32, #tpu.memory_space<vmem_shared>>
      %dma_start3A_35 = tpu.memref_slice %arg11[%mul3A_2] : memref<100352xf32, #tpu.memory_space<vmem_shared>> -> memref<6272xf32, #tpu.memory_space<vmem_shared>>
      %dma_start3A_36 = arith.constant 0 : i32
      %dma_start3A_37 = tpu.memref_slice %arg15[%dma_start3A_36] : memref<20000xf32, #tpu.memory_space<vmem>> -> memref<6272xf32, #tpu.memory_space<vmem>>
      tpu.enqueue_dma source(%dma_start3A_37 : memref<6272xf32, #tpu.memory_space<vmem>>) target(%dma_start3A_35 : memref<6272xf32, #tpu.memory_space<vmem_shared>>) target_semaphore(%run_scoped3A_32 : memref<!tpu.dma_semaphore, #tpu.memory_space<semaphore_mem>>)
      %dma_wait3A = arith.constant 0 : i32
      %dma_wait3A_38 = tpu.memref_slice %arg15[%dma_wait3A] : memref<20000xf32, #tpu.memory_space<vmem>> -> memref<6272xf32, #tpu.memory_space<vmem>>
      %dma_wait3A_39 = tpu.memref_slice %arg11[%mul3A_2] : memref<100352xf32, #tpu.memory_space<vmem_shared>> -> memref<6272xf32, #tpu.memory_space<vmem_shared>>
      %dma_wait3A_40 = tpu.memref_slice %arg11[%mul3A_2] : memref<100352xf32, #tpu.memory_space<vmem_shared>> -> memref<6272xf32, #tpu.memory_space<vmem_shared>>
      %dma_wait3A_41 = arith.constant 0 : i32
      %dma_wait3A_42 = tpu.memref_slice %arg15[%dma_wait3A_41] : memref<20000xf32, #tpu.memory_space<vmem>> -> memref<6272xf32, #tpu.memory_space<vmem>>
      tpu.wait_dma2 semaphore(%run_scoped3A_32 : memref<!tpu.dma_semaphore, #tpu.memory_space<semaphore_mem>>) src(%dma_wait3A_42 : memref<6272xf32, #tpu.memory_space<vmem>>) dst(%dma_wait3A_40 : memref<6272xf32, #tpu.memory_space<vmem_shared>>)
      tpu.yield
    }) : () -> ()
    %barrier3A = arith.constant 0 : index
    tpu.barrier barrier_id(%barrier3A)
    %scan3A_25 = arith.constant 0 : i32
    %scan3A_26 = arith.constant 10 : i32
    %scan3A_27 = arith.addi %scan3A_25, %scan3A_26 : i32
    %scan3A_28 = arith.constant 1 : i32
    scf.for %scan3A_32 = %scan3A_25 to %scan3A_27 step %scan3A_28  : i32 {
      %mul3A_33 = arith.constant 200000 : i32
      %mul3A_34 = arith.muli %add3A, %mul3A_33 : i32
      %mul3A_35 = arith.constant 20000 : i32
      %mul3A_36 = arith.muli %scan3A_32, %mul3A_35 : i32
      %add3A_37 = arith.addi %mul3A_34, %mul3A_36 : i32
      "tpu.region"() ({
        %run_scoped3A_88 = tpu.sem_alloc : memref<!tpu.dma_semaphore, #tpu.memory_space<semaphore_mem>>
        %dma_start3A = tpu.memref_slice %arg2[%add3A_37] : memref<6400000xi32, #tpu.memory_space<hbm>> -> memref<20000xi32, #tpu.memory_space<hbm>>
        %dma_start3A_89 = tpu.memref_slice %arg2[%add3A_37] : memref<6400000xi32, #tpu.memory_space<hbm>> -> memref<20000xi32, #tpu.memory_space<hbm>>
        tpu.enqueue_dma source(%dma_start3A_89 : memref<20000xi32, #tpu.memory_space<hbm>>) target(%arg12 : memref<20000xi32, #tpu.memory_space<vmem>>) target_semaphore(%run_scoped3A_88 : memref<!tpu.dma_semaphore, #tpu.memory_space<semaphore_mem>>)
        %dma_wait3A = tpu.memref_slice %arg2[%add3A_37] : memref<6400000xi32, #tpu.memory_space<hbm>> -> memref<20000xi32, #tpu.memory_space<hbm>>
        %dma_wait3A_90 = tpu.memref_slice %arg2[%add3A_37] : memref<6400000xi32, #tpu.memory_space<hbm>> -> memref<20000xi32, #tpu.memory_space<hbm>>
        tpu.wait_dma2 semaphore(%run_scoped3A_88 : memref<!tpu.dma_semaphore, #tpu.memory_space<semaphore_mem>>) src(%dma_wait3A_90 : memref<20000xi32, #tpu.memory_space<hbm>>) dst(%arg12 : memref<20000xi32, #tpu.memory_space<vmem>>)
        tpu.yield
      }) : () -> ()
      "tpu.region"() ({
        %run_scoped3A_88 = tpu.sem_alloc : memref<!tpu.dma_semaphore, #tpu.memory_space<semaphore_mem>>
        %dma_start3A = tpu.memref_slice %arg3[%add3A_37] : memref<6400000xi32, #tpu.memory_space<hbm>> -> memref<20000xi32, #tpu.memory_space<hbm>>
        %dma_start3A_89 = tpu.memref_slice %arg3[%add3A_37] : memref<6400000xi32, #tpu.memory_space<hbm>> -> memref<20000xi32, #tpu.memory_space<hbm>>
        tpu.enqueue_dma source(%dma_start3A_89 : memref<20000xi32, #tpu.memory_space<hbm>>) target(%arg13 : memref<20000xi32, #tpu.memory_space<vmem>>) target_semaphore(%run_scoped3A_88 : memref<!tpu.dma_semaphore, #tpu.memory_space<semaphore_mem>>)
        %dma_wait3A = tpu.memref_slice %arg3[%add3A_37] : memref<6400000xi32, #tpu.memory_space<hbm>> -> memref<20000xi32, #tpu.memory_space<hbm>>
        %dma_wait3A_90 = tpu.memref_slice %arg3[%add3A_37] : memref<6400000xi32, #tpu.memory_space<hbm>> -> memref<20000xi32, #tpu.memory_space<hbm>>
        tpu.wait_dma2 semaphore(%run_scoped3A_88 : memref<!tpu.dma_semaphore, #tpu.memory_space<semaphore_mem>>) src(%dma_wait3A_90 : memref<20000xi32, #tpu.memory_space<hbm>>) dst(%arg13 : memref<20000xi32, #tpu.memory_space<vmem>>)
        tpu.yield
      }) : () -> ()
      "tpu.region"() ({
        %run_scoped3A_88 = tpu.sem_alloc : memref<!tpu.dma_semaphore, #tpu.memory_space<semaphore_mem>>
        %dma_start3A = tpu.memref_slice %arg4[%add3A_37] : memref<6400000xf32, #tpu.memory_space<hbm>> -> memref<20000xf32, #tpu.memory_space<hbm>>
        %dma_start3A_89 = tpu.memref_slice %arg4[%add3A_37] : memref<6400000xf32, #tpu.memory_space<hbm>> -> memref<20000xf32, #tpu.memory_space<hbm>>
        tpu.enqueue_dma source(%dma_start3A_89 : memref<20000xf32, #tpu.memory_space<hbm>>) target(%arg14 : memref<20000xf32, #tpu.memory_space<vmem>>) target_semaphore(%run_scoped3A_88 : memref<!tpu.dma_semaphore, #tpu.memory_space<semaphore_mem>>)
        %dma_wait3A = tpu.memref_slice %arg4[%add3A_37] : memref<6400000xf32, #tpu.memory_space<hbm>> -> memref<20000xf32, #tpu.memory_space<hbm>>
        %dma_wait3A_90 = tpu.memref_slice %arg4[%add3A_37] : memref<6400000xf32, #tpu.memory_space<hbm>> -> memref<20000xf32, #tpu.memory_space<hbm>>
        tpu.wait_dma2 semaphore(%run_scoped3A_88 : memref<!tpu.dma_semaphore, #tpu.memory_space<semaphore_mem>>) src(%dma_wait3A_90 : memref<20000xf32, #tpu.memory_space<hbm>>) dst(%arg14 : memref<20000xf32, #tpu.memory_space<vmem>>)
        tpu.yield
      }) : () -> ()
      "tpu.region"() ({
        %run_scoped3A_88 = tpu.sem_alloc : memref<!tpu.dma_semaphore, #tpu.memory_space<semaphore_mem>>
        %dma_start3A = arith.constant 0 : i32
        %dma_start3A_89 = tpu.memref_slice %arg8[%dma_start3A] : memref<100352xf32, #tpu.memory_space<vmem_shared>> -> memref<100352xf32, #tpu.memory_space<vmem_shared>>
        tpu.enqueue_indirect_dma source(%dma_start3A_89 : memref<100352xf32, #tpu.memory_space<vmem_shared>>) target(%arg15 : memref<20000xf32, #tpu.memory_space<vmem>>) offsets(%arg12 : memref<20000xi32, #tpu.memory_space<vmem>>) semaphore(%run_scoped3A_88 : memref<!tpu.dma_semaphore, #tpu.memory_space<semaphore_mem>>)
        %dma_wait3A = arith.constant 0 : i32
        %dma_wait3A_90 = tpu.memref_slice %arg8[%dma_wait3A] : memref<100352xf32, #tpu.memory_space<vmem_shared>> -> memref<100352xf32, #tpu.memory_space<vmem_shared>>
        tpu.wait_indirect_dma semaphore(%run_scoped3A_88 : memref<!tpu.dma_semaphore, #tpu.memory_space<semaphore_mem>>) src(%dma_wait3A_90 : memref<100352xf32, #tpu.memory_space<vmem_shared>>) dst(%arg15 : memref<20000xf32, #tpu.memory_space<vmem>>)
        tpu.yield
      }) : () -> ()
      "tpu.region"() ({
        %run_scoped3A_88 = tpu.sem_alloc : memref<!tpu.dma_semaphore, #tpu.memory_space<semaphore_mem>>
        %dma_start3A = arith.constant 0 : i32
        %dma_start3A_89 = tpu.memref_slice %arg9[%dma_start3A] : memref<100352xf32, #tpu.memory_space<vmem_shared>> -> memref<100352xf32, #tpu.memory_space<vmem_shared>>
        tpu.enqueue_indirect_dma source(%dma_start3A_89 : memref<100352xf32, #tpu.memory_space<vmem_shared>>) target(%arg16 : memref<20000xf32, #tpu.memory_space<vmem>>) offsets(%arg12 : memref<20000xi32, #tpu.memory_space<vmem>>) semaphore(%run_scoped3A_88 : memref<!tpu.dma_semaphore, #tpu.memory_space<semaphore_mem>>)
        %dma_wait3A = arith.constant 0 : i32
        %dma_wait3A_90 = tpu.memref_slice %arg9[%dma_wait3A] : memref<100352xf32, #tpu.memory_space<vmem_shared>> -> memref<100352xf32, #tpu.memory_space<vmem_shared>>
        tpu.wait_indirect_dma semaphore(%run_scoped3A_88 : memref<!tpu.dma_semaphore, #tpu.memory_space<semaphore_mem>>) src(%dma_wait3A_90 : memref<100352xf32, #tpu.memory_space<vmem_shared>>) dst(%arg16 : memref<20000xf32, #tpu.memory_space<vmem>>)
        tpu.yield
      }) : () -> ()
      %scan3A_38 = arith.constant 0 : i32
      %scan3A_39 = arith.constant 1248 : i32
      %scan3A_40 = arith.addi %scan3A_38, %scan3A_39 : i32
      %scan3A_41 = arith.constant 4 : i32
      scf.for %scan3A_88 = %scan3A_38 to %scan3A_40 step %scan3A_41  : i32 {
        %mul3A_89 = arith.constant 16 : i32
        %mul3A_90 = arith.muli %scan3A_88, %mul3A_89 : i32
        %get3A_91 = arith.index_cast %mul3A_90 : i32 to index
        %get3A_92 = tpu.vector_load %arg14[%get3A_91] {strides = array<i32>} : memref<20000xf32, #tpu.memory_space<vmem>>, vector<16xf32>,
        %get3A_93 = vector.shape_cast %get3A_92 : vector<16xf32> to vector<16xf32>
        %get3A_94 = arith.index_cast %mul3A_90 : i32 to index
        %get3A_95 = tpu.vector_load %arg15[%get3A_94] {strides = array<i32>} : memref<20000xf32, #tpu.memory_space<vmem>>, vector<16xf32>,
        %get3A_96 = vector.shape_cast %get3A_95 : vector<16xf32> to vector<16xf32>
        %mul3A_97 = arith.mulf %get3A_96, %get3A_93 : vector<16xf32>
        %swap3A_98 = arith.index_cast %mul3A_90 : i32 to index
        %swap3A_99 = tpu.vector_load %arg15[%swap3A_98] {strides = array<i32>} : memref<20000xf32, #tpu.memory_space<vmem>>, vector<16xf32>,
        %swap3A_100 = vector.shape_cast %swap3A_99 : vector<16xf32> to vector<16xf32>
        %swap3A_101 = vector.shape_cast %mul3A_97 : vector<16xf32> to vector<16xf32>
        tpu.vector_store %arg15[%swap3A_98], %swap3A_101 {strides = array<i32>} : memref<20000xf32, #tpu.memory_space<vmem>>, vector<16xf32>,
        %get3A_102 = arith.index_cast %mul3A_90 : i32 to index
        %get3A_103 = tpu.vector_load %arg16[%get3A_102] {strides = array<i32>} : memref<20000xf32, #tpu.memory_space<vmem>>, vector<16xf32>,
        %get3A_104 = vector.shape_cast %get3A_103 : vector<16xf32> to vector<16xf32>
        %mul3A_105 = arith.mulf %get3A_104, %get3A_93 : vector<16xf32>
        %swap3A_106 = arith.index_cast %mul3A_90 : i32 to index
        %swap3A_107 = tpu.vector_load %arg16[%swap3A_106] {strides = array<i32>} : memref<20000xf32, #tpu.memory_space<vmem>>, vector<16xf32>,
        %swap3A_108 = vector.shape_cast %swap3A_107 : vector<16xf32> to vector<16xf32>
        %swap3A_109 = vector.shape_cast %mul3A_105 : vector<16xf32> to vector<16xf32>
        tpu.vector_store %arg16[%swap3A_106], %swap3A_109 {strides = array<i32>} : memref<20000xf32, #tpu.memory_space<vmem>>, vector<16xf32>,
        %scan3A_110 = arith.constant 1 : i32
        %scan3A_111 = arith.addi %scan3A_88, %scan3A_110 : i32
        %mul3A_112 = arith.constant 16 : i32
        %mul3A_113 = arith.muli %scan3A_111, %mul3A_112 : i32
        %get3A_114 = arith.index_cast %mul3A_113 : i32 to index
        %get3A_115 = tpu.vector_load %arg14[%get3A_114] {strides = array<i32>} : memref<20000xf32, #tpu.memory_space<vmem>>, vector<16xf32>,
        %get3A_116 = vector.shape_cast %get3A_115 : vector<16xf32> to vector<16xf32>
        %get3A_117 = arith.index_cast %mul3A_113 : i32 to index
        %get3A_118 = tpu.vector_load %arg15[%get3A_117] {strides = array<i32>} : memref<20000xf32, #tpu.memory_space<vmem>>, vector<16xf32>,
        %get3A_119 = vector.shape_cast %get3A_118 : vector<16xf32> to vector<16xf32>
        %mul3A_120 = arith.mulf %get3A_119, %get3A_116 : vector<16xf32>
        %swap3A_121 = arith.index_cast %mul3A_113 : i32 to index
        %swap3A_122 = tpu.vector_load %arg15[%swap3A_121] {strides = array<i32>} : memref<20000xf32, #tpu.memory_space<vmem>>, vector<16xf32>,
        %swap3A_123 = vector.shape_cast %swap3A_122 : vector<16xf32> to vector<16xf32>
        %swap3A_124 = vector.shape_cast %mul3A_120 : vector<16xf32> to vector<16xf32>
        tpu.vector_store %arg15[%swap3A_121], %swap3A_124 {strides = array<i32>} : memref<20000xf32, #tpu.memory_space<vmem>>, vector<16xf32>,
        %get3A_125 = arith.index_cast %mul3A_113 : i32 to index
        %get3A_126 = tpu.vector_load %arg16[%get3A_125] {strides = array<i32>} : memref<20000xf32, #tpu.memory_space<vmem>>, vector<16xf32>,
        %get3A_127 = vector.shape_cast %get3A_126 : vector<16xf32> to vector<16xf32>
        %mul3A_128 = arith.mulf %get3A_127, %get3A_116 : vector<16xf32>
        %swap3A_129 = arith.index_cast %mul3A_113 : i32 to index
        %swap3A_130 = tpu.vector_load %arg16[%swap3A_129] {strides = array<i32>} : memref<20000xf32, #tpu.memory_space<vmem>>, vector<16xf32>,
        %swap3A_131 = vector.shape_cast %swap3A_130 : vector<16xf32> to vector<16xf32>
        %swap3A_132 = vector.shape_cast %mul3A_128 : vector<16xf32> to vector<16xf32>
        tpu.vector_store %arg16[%swap3A_129], %swap3A_132 {strides = array<i32>} : memref<20000xf32, #tpu.memory_space<vmem>>, vector<16xf32>,
        %scan3A_133 = arith.constant 2 : i32
        %scan3A_134 = arith.addi %scan3A_88, %scan3A_133 : i32
        %mul3A_135 = arith.constant 16 : i32
        %mul3A_136 = arith.muli %scan3A_134, %mul3A_135 : i32
        %get3A_137 = arith.index_cast %mul3A_136 : i32 to index
        %get3A_138 = tpu.vector_load %arg14[%get3A_137] {strides = array<i32>} : memref<20000xf32, #tpu.memory_space<vmem>>, vector<16xf32>,
        %get3A_139 = vector.shape_cast %get3A_138 : vector<16xf32> to vector<16xf32>
        %get3A_140 = arith.index_cast %mul3A_136 : i32 to index
        %get3A_141 = tpu.vector_load %arg15[%get3A_140] {strides = array<i32>} : memref<20000xf32, #tpu.memory_space<vmem>>, vector<16xf32>,
        %get3A_142 = vector.shape_cast %get3A_141 : vector<16xf32> to vector<16xf32>
        %mul3A_143 = arith.mulf %get3A_142, %get3A_139 : vector<16xf32>
        %swap3A_144 = arith.index_cast %mul3A_136 : i32 to index
        %swap3A_145 = tpu.vector_load %arg15[%swap3A_144] {strides = array<i32>} : memref<20000xf32, #tpu.memory_space<vmem>>, vector<16xf32>,
        %swap3A_146 = vector.shape_cast %swap3A_145 : vector<16xf32> to vector<16xf32>
        %swap3A_147 = vector.shape_cast %mul3A_143 : vector<16xf32> to vector<16xf32>
        tpu.vector_store %arg15[%swap3A_144], %swap3A_147 {strides = array<i32>} : memref<20000xf32, #tpu.memory_space<vmem>>, vector<16xf32>,
        %get3A_148 = arith.index_cast %mul3A_136 : i32 to index
        %get3A_149 = tpu.vector_load %arg16[%get3A_148] {strides = array<i32>} : memref<20000xf32, #tpu.memory_space<vmem>>, vector<16xf32>,
        %get3A_150 = vector.shape_cast %get3A_149 : vector<16xf32> to vector<16xf32>
        %mul3A_151 = arith.mulf %get3A_150, %get3A_139 : vector<16xf32>
        %swap3A_152 = arith.index_cast %mul3A_136 : i32 to index
        %swap3A_153 = tpu.vector_load %arg16[%swap3A_152] {strides = array<i32>} : memref<20000xf32, #tpu.memory_space<vmem>>, vector<16xf32>,
        %swap3A_154 = vector.shape_cast %swap3A_153 : vector<16xf32> to vector<16xf32>
        %swap3A_155 = vector.shape_cast %mul3A_151 : vector<16xf32> to vector<16xf32>
        tpu.vector_store %arg16[%swap3A_152], %swap3A_155 {strides = array<i32>} : memref<20000xf32, #tpu.memory_space<vmem>>, vector<16xf32>,
        %scan3A_156 = arith.constant 3 : i32
        %scan3A_157 = arith.addi %scan3A_88, %scan3A_156 : i32
        %mul3A_158 = arith.constant 16 : i32
        %mul3A_159 = arith.muli %scan3A_157, %mul3A_158 : i32
        %get3A_160 = arith.index_cast %mul3A_159 : i32 to index
        %get3A_161 = tpu.vector_load %arg14[%get3A_160] {strides = array<i32>} : memref<20000xf32, #tpu.memory_space<vmem>>, vector<16xf32>,
        %get3A_162 = vector.shape_cast %get3A_161 : vector<16xf32> to vector<16xf32>
        %get3A_163 = arith.index_cast %mul3A_159 : i32 to index
        %get3A_164 = tpu.vector_load %arg15[%get3A_163] {strides = array<i32>} : memref<20000xf32, #tpu.memory_space<vmem>>, vector<16xf32>,
        %get3A_165 = vector.shape_cast %get3A_164 : vector<16xf32> to vector<16xf32>
        %mul3A_166 = arith.mulf %get3A_165, %get3A_162 : vector<16xf32>
        %swap3A_167 = arith.index_cast %mul3A_159 : i32 to index
        %swap3A_168 = tpu.vector_load %arg15[%swap3A_167] {strides = array<i32>} : memref<20000xf32, #tpu.memory_space<vmem>>, vector<16xf32>,
        %swap3A_169 = vector.shape_cast %swap3A_168 : vector<16xf32> to vector<16xf32>
        %swap3A_170 = vector.shape_cast %mul3A_166 : vector<16xf32> to vector<16xf32>
        tpu.vector_store %arg15[%swap3A_167], %swap3A_170 {strides = array<i32>} : memref<20000xf32, #tpu.memory_space<vmem>>, vector<16xf32>,
        %get3A_171 = arith.index_cast %mul3A_159 : i32 to index
        %get3A_172 = tpu.vector_load %arg16[%get3A_171] {strides = array<i32>} : memref<20000xf32, #tpu.memory_space<vmem>>, vector<16xf32>,
        %get3A_173 = vector.shape_cast %get3A_172 : vector<16xf32> to vector<16xf32>
        %mul3A_174 = arith.mulf %get3A_173, %get3A_162 : vector<16xf32>
        %swap3A_175 = arith.index_cast %mul3A_159 : i32 to index
        %swap3A_176 = tpu.vector_load %arg16[%swap3A_175] {strides = array<i32>} : memref<20000xf32, #tpu.memory_space<vmem>>, vector<16xf32>,
        %swap3A_177 = vector.shape_cast %swap3A_176 : vector<16xf32> to vector<16xf32>
        %swap3A_178 = vector.shape_cast %mul3A_174 : vector<16xf32> to vector<16xf32>
        tpu.vector_store %arg16[%swap3A_175], %swap3A_178 {strides = array<i32>} : memref<20000xf32, #tpu.memory_space<vmem>>, vector<16xf32>,
      }
      %scan3A_42 = arith.constant 1248 : i32
      %scan3A_43 = arith.addi %scan3A_38, %scan3A_42 : i32
      %mul3A_44 = arith.constant 16 : i32
      %mul3A_45 = arith.muli %scan3A_43, %mul3A_44 : i32
      %get3A = arith.index_cast %mul3A_45 : i32 to index
      %get3A_46 = tpu.vector_load %arg14[%get3A] {strides = array<i32>} : memref<20000xf32, #tpu.memory_space<vmem>>, vector<16xf32>,
      %get3A_47 = vector.shape_cast %get3A_46 : vector<16xf32> to vector<16xf32>
      %get3A_48 = arith.index_cast %mul3A_45 : i32 to index
      %get3A_49 = tpu.vector_load %arg15[%get3A_48] {strides = array<i32>} : memref<20000xf32, #tpu.memory_space<vmem>>, vector<16xf32>,
      %get3A_50 = vector.shape_cast %get3A_49 : vector<16xf32> to vector<16xf32>
      %mul3A_51 = arith.mulf %get3A_50, %get3A_47 : vector<16xf32>
      %swap3A_52 = arith.index_cast %mul3A_45 : i32 to index
      %swap3A_53 = tpu.vector_load %arg15[%swap3A_52] {strides = array<i32>} : memref<20000xf32, #tpu.memory_space<vmem>>, vector<16xf32>,
      %swap3A_54 = vector.shape_cast %swap3A_53 : vector<16xf32> to vector<16xf32>
      %swap3A_55 = vector.shape_cast %mul3A_51 : vector<16xf32> to vector<16xf32>
      tpu.vector_store %arg15[%swap3A_52], %swap3A_55 {strides = array<i32>} : memref<20000xf32, #tpu.memory_space<vmem>>, vector<16xf32>,
      %get3A_56 = arith.index_cast %mul3A_45 : i32 to index
      %get3A_57 = tpu.vector_load %arg16[%get3A_56] {strides = array<i32>} : memref<20000xf32, #tpu.memory_space<vmem>>, vector<16xf32>,
      %get3A_58 = vector.shape_cast %get3A_57 : vector<16xf32> to vector<16xf32>
      %mul3A_59 = arith.mulf %get3A_58, %get3A_47 : vector<16xf32>
      %swap3A_60 = arith.index_cast %mul3A_45 : i32 to index
      %swap3A_61 = tpu.vector_load %arg16[%swap3A_60] {strides = array<i32>} : memref<20000xf32, #tpu.memory_space<vmem>>, vector<16xf32>,
      %swap3A_62 = vector.shape_cast %swap3A_61 : vector<16xf32> to vector<16xf32>
      %swap3A_63 = vector.shape_cast %mul3A_59 : vector<16xf32> to vector<16xf32>
      tpu.vector_store %arg16[%swap3A_60], %swap3A_63 {strides = array<i32>} : memref<20000xf32, #tpu.memory_space<vmem>>, vector<16xf32>,
      %scan3A_64 = arith.constant 1249 : i32
      %scan3A_65 = arith.addi %scan3A_38, %scan3A_64 : i32
      %mul3A_66 = arith.constant 16 : i32
      %mul3A_67 = arith.muli %scan3A_65, %mul3A_66 : i32
      %get3A_68 = arith.index_cast %mul3A_67 : i32 to index
      %get3A_69 = tpu.vector_load %arg14[%get3A_68] {strides = array<i32>} : memref<20000xf32, #tpu.memory_space<vmem>>, vector<16xf32>,
      %get3A_70 = vector.shape_cast %get3A_69 : vector<16xf32> to vector<16xf32>
      %get3A_71 = arith.index_cast %mul3A_67 : i32 to index
      %get3A_72 = tpu.vector_load %arg15[%get3A_71] {strides = array<i32>} : memref<20000xf32, #tpu.memory_space<vmem>>, vector<16xf32>,
      %get3A_73 = vector.shape_cast %get3A_72 : vector<16xf32> to vector<16xf32>
      %mul3A_74 = arith.mulf %get3A_73, %get3A_70 : vector<16xf32>
      %swap3A_75 = arith.index_cast %mul3A_67 : i32 to index
      %swap3A_76 = tpu.vector_load %arg15[%swap3A_75] {strides = array<i32>} : memref<20000xf32, #tpu.memory_space<vmem>>, vector<16xf32>,
      %swap3A_77 = vector.shape_cast %swap3A_76 : vector<16xf32> to vector<16xf32>
      %swap3A_78 = vector.shape_cast %mul3A_74 : vector<16xf32> to vector<16xf32>
      tpu.vector_store %arg15[%swap3A_75], %swap3A_78 {strides = array<i32>} : memref<20000xf32, #tpu.memory_space<vmem>>, vector<16xf32>,
      %get3A_79 = arith.index_cast %mul3A_67 : i32 to index
      %get3A_80 = tpu.vector_load %arg16[%get3A_79] {strides = array<i32>} : memref<20000xf32, #tpu.memory_space<vmem>>, vector<16xf32>,
      %get3A_81 = vector.shape_cast %get3A_80 : vector<16xf32> to vector<16xf32>
      %mul3A_82 = arith.mulf %get3A_81, %get3A_70 : vector<16xf32>
      %swap3A_83 = arith.index_cast %mul3A_67 : i32 to index
      %swap3A_84 = tpu.vector_load %arg16[%swap3A_83] {strides = array<i32>} : memref<20000xf32, #tpu.memory_space<vmem>>, vector<16xf32>,
      %swap3A_85 = vector.shape_cast %swap3A_84 : vector<16xf32> to vector<16xf32>
      %swap3A_86 = vector.shape_cast %mul3A_82 : vector<16xf32> to vector<16xf32>
      tpu.vector_store %arg16[%swap3A_83], %swap3A_86 {strides = array<i32>} : memref<20000xf32, #tpu.memory_space<vmem>>, vector<16xf32>,
      %scan3A_87 = arith.constant 1250 : i32
      "tpu.region"() ({
        %run_scoped3A_88 = tpu.sem_alloc : memref<!tpu.dma_semaphore, #tpu.memory_space<semaphore_mem>>
        %dma_start3A = arith.constant 0 : i32
        %dma_start3A_89 = tpu.memref_slice %arg10[%dma_start3A] : memref<100352xf32, #tpu.memory_space<vmem_shared>> -> memref<100352xf32, #tpu.memory_space<vmem_shared>>
        tpu.enqueue_indirect_dma source(%arg15 : memref<20000xf32, #tpu.memory_space<vmem>>) target(%dma_start3A_89 : memref<100352xf32, #tpu.memory_space<vmem_shared>>) offsets(%arg13 : memref<20000xi32, #tpu.memory_space<vmem>>) semaphore(%run_scoped3A_88 : memref<!tpu.dma_semaphore, #tpu.memory_space<semaphore_mem>>) {add = true}
        %dma_wait3A = arith.constant 0 : i32
        %dma_wait3A_90 = tpu.memref_slice %arg10[%dma_wait3A] : memref<100352xf32, #tpu.memory_space<vmem_shared>> -> memref<100352xf32, #tpu.memory_space<vmem_shared>>
        tpu.wait_indirect_dma semaphore(%run_scoped3A_88 : memref<!tpu.dma_semaphore, #tpu.memory_space<semaphore_mem>>) src(%arg15 : memref<20000xf32, #tpu.memory_space<vmem>>) dst(%dma_wait3A_90 : memref<100352xf32, #tpu.memory_space<vmem_shared>>)
        tpu.yield
      }) : () -> ()
      "tpu.region"() ({
        %run_scoped3A_88 = tpu.sem_alloc : memref<!tpu.dma_semaphore, #tpu.memory_space<semaphore_mem>>
        %dma_start3A = arith.constant 0 : i32
        %dma_start3A_89 = tpu.memref_slice %arg11[%dma_start3A] : memref<100352xf32, #tpu.memory_space<vmem_shared>> -> memref<100352xf32, #tpu.memory_space<vmem_shared>>
        tpu.enqueue_indirect_dma source(%arg16 : memref<20000xf32, #tpu.memory_space<vmem>>) target(%dma_start3A_89 : memref<100352xf32, #tpu.memory_space<vmem_shared>>) offsets(%arg13 : memref<20000xi32, #tpu.memory_space<vmem>>) semaphore(%run_scoped3A_88 : memref<!tpu.dma_semaphore, #tpu.memory_space<semaphore_mem>>) {add = true}
        %dma_wait3A = arith.constant 0 : i32
        %dma_wait3A_90 = tpu.memref_slice %arg11[%dma_wait3A] : memref<100352xf32, #tpu.memory_space<vmem_shared>> -> memref<100352xf32, #tpu.memory_space<vmem_shared>>
        tpu.wait_indirect_dma semaphore(%run_scoped3A_88 : memref<!tpu.dma_semaphore, #tpu.memory_space<semaphore_mem>>) src(%arg16 : memref<20000xf32, #tpu.memory_space<vmem>>) dst(%dma_wait3A_90 : memref<100352xf32, #tpu.memory_space<vmem_shared>>)
        tpu.yield
      }) : () -> ()
    }
    %scan3A_29 = arith.constant 10 : i32
    %barrier3A_30 = arith.constant 0 : index
    tpu.barrier barrier_id(%barrier3A_30)
    %run_scoped3A = arith.constant 0 : i32
    "tpu.region"() ({
      %run_scoped3A_32 = tpu.sem_alloc : memref<!tpu.dma_semaphore, #tpu.memory_space<semaphore_mem>>
      %dma_start3A = tpu.memref_slice %arg7[%arg0, %run_scoped3A, %mul3A_2] : memref<2x2x100352xf32, #tpu.memory_space<hbm>> -> memref<1x1x6272xf32, #tpu.memory_space<hbm>>
      %dma_start3A_33 = tpu.memref_squeeze %dma_start3A : memref<1x1x6272xf32, #tpu.memory_space<hbm>> -> memref<6272xf32, #tpu.memory_space<hbm>>
      %dma_start3A_34 = tpu.memref_slice %arg10[%mul3A_2] : memref<100352xf32, #tpu.memory_space<vmem_shared>> -> memref<6272xf32, #tpu.memory_space<vmem_shared>>
      tpu.enqueue_dma source(%dma_start3A_34 : memref<6272xf32, #tpu.memory_space<vmem_shared>>) target(%dma_start3A_33 : memref<6272xf32, #tpu.memory_space<hbm>>) target_semaphore(%run_scoped3A_32 : memref<!tpu.dma_semaphore, #tpu.memory_space<semaphore_mem>>)
      %dma_wait3A = tpu.memref_slice %arg7[%arg0, %run_scoped3A, %mul3A_2] : memref<2x2x100352xf32, #tpu.memory_space<hbm>> -> memref<1x1x6272xf32, #tpu.memory_space<hbm>>
      %dma_wait3A_35 = tpu.memref_squeeze %dma_wait3A : memref<1x1x6272xf32, #tpu.memory_space<hbm>> -> memref<6272xf32, #tpu.memory_space<hbm>>
      %dma_wait3A_36 = tpu.memref_slice %arg10[%mul3A_2] : memref<100352xf32, #tpu.memory_space<vmem_shared>> -> memref<6272xf32, #tpu.memory_space<vmem_shared>>
      tpu.wait_dma2 semaphore(%run_scoped3A_32 : memref<!tpu.dma_semaphore, #tpu.memory_space<semaphore_mem>>) src(%dma_wait3A_36 : memref<6272xf32, #tpu.memory_space<vmem_shared>>) dst(%dma_wait3A_35 : memref<6272xf32, #tpu.memory_space<hbm>>)
      tpu.yield
    }) : () -> ()
    %run_scoped3A_31 = arith.constant 1 : i32
    "tpu.region"() ({
      %run_scoped3A_32 = tpu.sem_alloc : memref<!tpu.dma_semaphore, #tpu.memory_space<semaphore_mem>>
      %dma_start3A = tpu.memref_slice %arg7[%arg0, %run_scoped3A_31, %mul3A_2] : memref<2x2x100352xf32, #tpu.memory_space<hbm>> -> memref<1x1x6272xf32, #tpu.memory_space<hbm>>
      %dma_start3A_33 = tpu.memref_squeeze %dma_start3A : memref<1x1x6272xf32, #tpu.memory_space<hbm>> -> memref<6272xf32, #tpu.memory_space<hbm>>
      %dma_start3A_34 = tpu.memref_slice %arg11[%mul3A_2] : memref<100352xf32, #tpu.memory_space<vmem_shared>> -> memref<6272xf32, #tpu.memory_space<vmem_shared>>
      tpu.enqueue_dma source(%dma_start3A_34 : memref<6272xf32, #tpu.memory_space<vmem_shared>>) target(%dma_start3A_33 : memref<6272xf32, #tpu.memory_space<hbm>>) target_semaphore(%run_scoped3A_32 : memref<!tpu.dma_semaphore, #tpu.memory_space<semaphore_mem>>)
      %dma_wait3A = tpu.memref_slice %arg7[%arg0, %run_scoped3A_31, %mul3A_2] : memref<2x2x100352xf32, #tpu.memory_space<hbm>> -> memref<1x1x6272xf32, #tpu.memory_space<hbm>>
      %dma_wait3A_35 = tpu.memref_squeeze %dma_wait3A : memref<1x1x6272xf32, #tpu.memory_space<hbm>> -> memref<6272xf32, #tpu.memory_space<hbm>>
      %dma_wait3A_36 = tpu.memref_slice %arg11[%mul3A_2] : memref<100352xf32, #tpu.memory_space<vmem_shared>> -> memref<6272xf32, #tpu.memory_space<vmem_shared>>
      tpu.wait_dma2 semaphore(%run_scoped3A_32 : memref<!tpu.dma_semaphore, #tpu.memory_space<semaphore_mem>>) src(%dma_wait3A_36 : memref<6272xf32, #tpu.memory_space<vmem_shared>>) dst(%dma_wait3A_35 : memref<6272xf32, #tpu.memory_space<hbm>>)
      tpu.yield
    }) : () -> ()
    return
  }
}

#map = affine_map<(d0, d1) -> (0)>
#map1 = affine_map<(d0, d1) -> (0, 0, 0)>
module attributes {stable_mosaic.version = 14 : i64} {
  func.func @prop_kernel(%arg0: i32, %arg1: i32, %arg2: memref<6400000xi32, #tpu.memory_space<hbm>>, %arg3: memref<6400000xi32, #tpu.memory_space<hbm>>, %arg4: memref<6400000xf32, #tpu.memory_space<hbm>>, %arg5: memref<100352xf32, #tpu.memory_space<hbm>>, %arg6: memref<100352xf32, #tpu.memory_space<hbm>>, %arg7: memref<2x2x100352xf32, #tpu.memory_space<hbm>>, %arg8: memref<100352xf32, #tpu.memory_space<vmem_shared>>, %arg9: memref<100352xf32, #tpu.memory_space<vmem_shared>>, %arg10: memref<100352xf32, #tpu.memory_space<vmem_shared>>, %arg11: memref<100352xf32, #tpu.memory_space<vmem_shared>>, %arg12: memref<20000xi32, #tpu.memory_space<vmem>>, %arg13: memref<20000xi32, #tpu.memory_space<vmem>>, %arg14: memref<20000xf32, #tpu.memory_space<vmem>>, %arg15: memref<20000xf32, #tpu.memory_space<vmem>>, %arg16: memref<20000xf32, #tpu.memory_space<vmem>>) attributes {dimension_semantics = [#tpu.dimension_semantics<core_parallel>, #tpu.dimension_semantics<subcore_parallel>], iteration_bounds = array<i64: 2, 16>, scalar_prefetch = 0 : i64, scratch_operands = 9 : i64, tpu.core_type = #tpu.core_type<sc_vector_subcore>, window_params = [{transform_indices = #map}, {transform_indices = #map}, {transform_indices = #map}, {transform_indices = #map}, {transform_indices = #map}, {transform_indices = #map1}]} {
    %mul3A = arith.constant 16 : i32
    %mul3A_0 = arith.muli %arg0, %mul3A : i32
    %add3A = arith.addi %mul3A_0, %arg1 : i32
    %mul3A_1 = arith.constant 6272 : i32
    %mul3A_2 = arith.muli %arg1, %mul3A_1 : i32
    "tpu.region"() ({
      %run_scoped3A_32 = tpu.sem_alloc : memref<!tpu.dma_semaphore, #tpu.memory_space<semaphore_mem>>
      %dma_start3A = tpu.memref_slice %arg8[%mul3A_2] : memref<100352xf32, #tpu.memory_space<vmem_shared>> -> memref<6272xf32, #tpu.memory_space<vmem_shared>>
      %dma_start3A_33 = tpu.memref_slice %arg5[%mul3A_2] : memref<100352xf32, #tpu.memory_space<hbm>> -> memref<6272xf32, #tpu.memory_space<hbm>>
      tpu.enqueue_dma source(%dma_start3A_33 : memref<6272xf32, #tpu.memory_space<hbm>>) target(%dma_start3A : memref<6272xf32, #tpu.memory_space<vmem_shared>>) target_semaphore(%run_scoped3A_32 : memref<!tpu.dma_semaphore, #tpu.memory_space<semaphore_mem>>)
      %dma_wait3A = tpu.memref_slice %arg8[%mul3A_2] : memref<100352xf32, #tpu.memory_space<vmem_shared>> -> memref<6272xf32, #tpu.memory_space<vmem_shared>>
      %dma_wait3A_34 = tpu.memref_slice %arg5[%mul3A_2] : memref<100352xf32, #tpu.memory_space<hbm>> -> memref<6272xf32, #tpu.memory_space<hbm>>
      tpu.wait_dma2 semaphore(%run_scoped3A_32 : memref<!tpu.dma_semaphore, #tpu.memory_space<semaphore_mem>>) src(%dma_wait3A_34 : memref<6272xf32, #tpu.memory_space<hbm>>) dst(%dma_wait3A : memref<6272xf32, #tpu.memory_space<vmem_shared>>)
      tpu.yield
    }) : () -> ()
    "tpu.region"() ({
      %run_scoped3A_32 = tpu.sem_alloc : memref<!tpu.dma_semaphore, #tpu.memory_space<semaphore_mem>>
      %dma_start3A = tpu.memref_slice %arg9[%mul3A_2] : memref<100352xf32, #tpu.memory_space<vmem_shared>> -> memref<6272xf32, #tpu.memory_space<vmem_shared>>
      %dma_start3A_33 = tpu.memref_slice %arg6[%mul3A_2] : memref<100352xf32, #tpu.memory_space<hbm>> -> memref<6272xf32, #tpu.memory_space<hbm>>
      tpu.enqueue_dma source(%dma_start3A_33 : memref<6272xf32, #tpu.memory_space<hbm>>) target(%dma_start3A : memref<6272xf32, #tpu.memory_space<vmem_shared>>) target_semaphore(%run_scoped3A_32 : memref<!tpu.dma_semaphore, #tpu.memory_space<semaphore_mem>>)
      %dma_wait3A = tpu.memref_slice %arg9[%mul3A_2] : memref<100352xf32, #tpu.memory_space<vmem_shared>> -> memref<6272xf32, #tpu.memory_space<vmem_shared>>
      %dma_wait3A_34 = tpu.memref_slice %arg6[%mul3A_2] : memref<100352xf32, #tpu.memory_space<hbm>> -> memref<6272xf32, #tpu.memory_space<hbm>>
      tpu.wait_dma2 semaphore(%run_scoped3A_32 : memref<!tpu.dma_semaphore, #tpu.memory_space<semaphore_mem>>) src(%dma_wait3A_34 : memref<6272xf32, #tpu.memory_space<hbm>>) dst(%dma_wait3A : memref<6272xf32, #tpu.memory_space<vmem_shared>>)
      tpu.yield
    }) : () -> ()
    %scan3A = arith.constant 0 : i32
    %scan3A_3 = arith.constant 1248 : i32
    %scan3A_4 = arith.addi %scan3A, %scan3A_3 : i32
    %scan3A_5 = arith.constant 4 : i32
    scf.for %scan3A_32 = %scan3A to %scan3A_4 step %scan3A_5  : i32 {
      %broadcast_in_dim3A_33 = arith.constant 0.000000e+00 : f32
      %broadcast_in_dim3A_34 = vector.broadcast %broadcast_in_dim3A_33 : f32 to vector<16xf32>
      %mul3A_35 = arith.constant 16 : i32
      %mul3A_36 = arith.muli %scan3A_32, %mul3A_35 : i32
      %swap3A_37 = arith.index_cast %mul3A_36 : i32 to index
      %swap3A_38 = tpu.vector_load %arg15[%swap3A_37] {strides = array<i32>} : memref<20000xf32, #tpu.memory_space<vmem>>, vector<16xf32>,
      %swap3A_39 = vector.shape_cast %swap3A_38 : vector<16xf32> to vector<16xf32>
      %swap3A_40 = vector.shape_cast %broadcast_in_dim3A_34 : vector<16xf32> to vector<16xf32>
      tpu.vector_store %arg15[%swap3A_37], %swap3A_40 {strides = array<i32>} : memref<20000xf32, #tpu.memory_space<vmem>>, vector<16xf32>,
      %scan3A_41 = arith.constant 1 : i32
      %scan3A_42 = arith.addi %scan3A_32, %scan3A_41 : i32
      %broadcast_in_dim3A_43 = arith.constant 0.000000e+00 : f32
      %broadcast_in_dim3A_44 = vector.broadcast %broadcast_in_dim3A_43 : f32 to vector<16xf32>
      %mul3A_45 = arith.constant 16 : i32
      %mul3A_46 = arith.muli %scan3A_42, %mul3A_45 : i32
      %swap3A_47 = arith.index_cast %mul3A_46 : i32 to index
      %swap3A_48 = tpu.vector_load %arg15[%swap3A_47] {strides = array<i32>} : memref<20000xf32, #tpu.memory_space<vmem>>, vector<16xf32>,
      %swap3A_49 = vector.shape_cast %swap3A_48 : vector<16xf32> to vector<16xf32>
      %swap3A_50 = vector.shape_cast %broadcast_in_dim3A_44 : vector<16xf32> to vector<16xf32>
      tpu.vector_store %arg15[%swap3A_47], %swap3A_50 {strides = array<i32>} : memref<20000xf32, #tpu.memory_space<vmem>>, vector<16xf32>,
      %scan3A_51 = arith.constant 2 : i32
      %scan3A_52 = arith.addi %scan3A_32, %scan3A_51 : i32
      %broadcast_in_dim3A_53 = arith.constant 0.000000e+00 : f32
      %broadcast_in_dim3A_54 = vector.broadcast %broadcast_in_dim3A_53 : f32 to vector<16xf32>
      %mul3A_55 = arith.constant 16 : i32
      %mul3A_56 = arith.muli %scan3A_52, %mul3A_55 : i32
      %swap3A_57 = arith.index_cast %mul3A_56 : i32 to index
      %swap3A_58 = tpu.vector_load %arg15[%swap3A_57] {strides = array<i32>} : memref<20000xf32, #tpu.memory_space<vmem>>, vector<16xf32>,
      %swap3A_59 = vector.shape_cast %swap3A_58 : vector<16xf32> to vector<16xf32>
      %swap3A_60 = vector.shape_cast %broadcast_in_dim3A_54 : vector<16xf32> to vector<16xf32>
      tpu.vector_store %arg15[%swap3A_57], %swap3A_60 {strides = array<i32>} : memref<20000xf32, #tpu.memory_space<vmem>>, vector<16xf32>,
      %scan3A_61 = arith.constant 3 : i32
      %scan3A_62 = arith.addi %scan3A_32, %scan3A_61 : i32
      %broadcast_in_dim3A_63 = arith.constant 0.000000e+00 : f32
      %broadcast_in_dim3A_64 = vector.broadcast %broadcast_in_dim3A_63 : f32 to vector<16xf32>
      %mul3A_65 = arith.constant 16 : i32
      %mul3A_66 = arith.muli %scan3A_62, %mul3A_65 : i32
      %swap3A_67 = arith.index_cast %mul3A_66 : i32 to index
      %swap3A_68 = tpu.vector_load %arg15[%swap3A_67] {strides = array<i32>} : memref<20000xf32, #tpu.memory_space<vmem>>, vector<16xf32>,
      %swap3A_69 = vector.shape_cast %swap3A_68 : vector<16xf32> to vector<16xf32>
      %swap3A_70 = vector.shape_cast %broadcast_in_dim3A_64 : vector<16xf32> to vector<16xf32>
      tpu.vector_store %arg15[%swap3A_67], %swap3A_70 {strides = array<i32>} : memref<20000xf32, #tpu.memory_space<vmem>>, vector<16xf32>,
    }
    %scan3A_6 = arith.constant 1248 : i32
    %scan3A_7 = arith.addi %scan3A, %scan3A_6 : i32
    %broadcast_in_dim3A = arith.constant 0.000000e+00 : f32
    %broadcast_in_dim3A_8 = vector.broadcast %broadcast_in_dim3A : f32 to vector<16xf32>
    %mul3A_9 = arith.constant 16 : i32
    %mul3A_10 = arith.muli %scan3A_7, %mul3A_9 : i32
    %swap3A = arith.index_cast %mul3A_10 : i32 to index
    %swap3A_11 = tpu.vector_load %arg15[%swap3A] {strides = array<i32>} : memref<20000xf32, #tpu.memory_space<vmem>>, vector<16xf32>,
    %swap3A_12 = vector.shape_cast %swap3A_11 : vector<16xf32> to vector<16xf32>
    %swap3A_13 = vector.shape_cast %broadcast_in_dim3A_8 : vector<16xf32> to vector<16xf32>
    tpu.vector_store %arg15[%swap3A], %swap3A_13 {strides = array<i32>} : memref<20000xf32, #tpu.memory_space<vmem>>, vector<16xf32>,
    %scan3A_14 = arith.constant 1249 : i32
    %scan3A_15 = arith.addi %scan3A, %scan3A_14 : i32
    %broadcast_in_dim3A_16 = arith.constant 0.000000e+00 : f32
    %broadcast_in_dim3A_17 = vector.broadcast %broadcast_in_dim3A_16 : f32 to vector<16xf32>
    %mul3A_18 = arith.constant 16 : i32
    %mul3A_19 = arith.muli %scan3A_15, %mul3A_18 : i32
    %swap3A_20 = arith.index_cast %mul3A_19 : i32 to index
    %swap3A_21 = tpu.vector_load %arg15[%swap3A_20] {strides = array<i32>} : memref<20000xf32, #tpu.memory_space<vmem>>, vector<16xf32>,
    %swap3A_22 = vector.shape_cast %swap3A_21 : vector<16xf32> to vector<16xf32>
    %swap3A_23 = vector.shape_cast %broadcast_in_dim3A_17 : vector<16xf32> to vector<16xf32>
    tpu.vector_store %arg15[%swap3A_20], %swap3A_23 {strides = array<i32>} : memref<20000xf32, #tpu.memory_space<vmem>>, vector<16xf32>,
    %scan3A_24 = arith.constant 1250 : i32
    "tpu.region"() ({
      %run_scoped3A_32 = tpu.sem_alloc : memref<!tpu.dma_semaphore, #tpu.memory_space<semaphore_mem>>
      %dma_start3A = arith.constant 0 : i32
      %dma_start3A_33 = tpu.memref_slice %arg15[%dma_start3A] : memref<20000xf32, #tpu.memory_space<vmem>> -> memref<6272xf32, #tpu.memory_space<vmem>>
      %dma_start3A_34 = tpu.memref_slice %arg10[%mul3A_2] : memref<100352xf32, #tpu.memory_space<vmem_shared>> -> memref<6272xf32, #tpu.memory_space<vmem_shared>>
      %dma_start3A_35 = tpu.memref_slice %arg10[%mul3A_2] : memref<100352xf32, #tpu.memory_space<vmem_shared>> -> memref<6272xf32, #tpu.memory_space<vmem_shared>>
      %dma_start3A_36 = arith.constant 0 : i32
      %dma_start3A_37 = tpu.memref_slice %arg15[%dma_start3A_36] : memref<20000xf32, #tpu.memory_space<vmem>> -> memref<6272xf32, #tpu.memory_space<vmem>>
      tpu.enqueue_dma source(%dma_start3A_37 : memref<6272xf32, #tpu.memory_space<vmem>>) target(%dma_start3A_35 : memref<6272xf32, #tpu.memory_space<vmem_shared>>) target_semaphore(%run_scoped3A_32 : memref<!tpu.dma_semaphore, #tpu.memory_space<semaphore_mem>>)
      %dma_wait3A = arith.constant 0 : i32
      %dma_wait3A_38 = tpu.memref_slice %arg15[%dma_wait3A] : memref<20000xf32, #tpu.memory_space<vmem>> -> memref<6272xf32, #tpu.memory_space<vmem>>
      %dma_wait3A_39 = tpu.memref_slice %arg10[%mul3A_2] : memref<100352xf32, #tpu.memory_space<vmem_shared>> -> memref<6272xf32, #tpu.memory_space<vmem_shared>>
      %dma_wait3A_40 = tpu.memref_slice %arg10[%mul3A_2] : memref<100352xf32, #tpu.memory_space<vmem_shared>> -> memref<6272xf32, #tpu.memory_space<vmem_shared>>
      %dma_wait3A_41 = arith.constant 0 : i32
      %dma_wait3A_42 = tpu.memref_slice %arg15[%dma_wait3A_41] : memref<20000xf32, #tpu.memory_space<vmem>> -> memref<6272xf32, #tpu.memory_space<vmem>>
      tpu.wait_dma2 semaphore(%run_scoped3A_32 : memref<!tpu.dma_semaphore, #tpu.memory_space<semaphore_mem>>) src(%dma_wait3A_42 : memref<6272xf32, #tpu.memory_space<vmem>>) dst(%dma_wait3A_40 : memref<6272xf32, #tpu.memory_space<vmem_shared>>)
      tpu.yield
    }) : () -> ()
    "tpu.region"() ({
      %run_scoped3A_32 = tpu.sem_alloc : memref<!tpu.dma_semaphore, #tpu.memory_space<semaphore_mem>>
      %dma_start3A = arith.constant 0 : i32
      %dma_start3A_33 = tpu.memref_slice %arg15[%dma_start3A] : memref<20000xf32, #tpu.memory_space<vmem>> -> memref<6272xf32, #tpu.memory_space<vmem>>
      %dma_start3A_34 = tpu.memref_slice %arg11[%mul3A_2] : memref<100352xf32, #tpu.memory_space<vmem_shared>> -> memref<6272xf32, #tpu.memory_space<vmem_shared>>
      %dma_start3A_35 = tpu.memref_slice %arg11[%mul3A_2] : memref<100352xf32, #tpu.memory_space<vmem_shared>> -> memref<6272xf32, #tpu.memory_space<vmem_shared>>
      %dma_start3A_36 = arith.constant 0 : i32
      %dma_start3A_37 = tpu.memref_slice %arg15[%dma_start3A_36] : memref<20000xf32, #tpu.memory_space<vmem>> -> memref<6272xf32, #tpu.memory_space<vmem>>
      tpu.enqueue_dma source(%dma_start3A_37 : memref<6272xf32, #tpu.memory_space<vmem>>) target(%dma_start3A_35 : memref<6272xf32, #tpu.memory_space<vmem_shared>>) target_semaphore(%run_scoped3A_32 : memref<!tpu.dma_semaphore, #tpu.memory_space<semaphore_mem>>)
      %dma_wait3A = arith.constant 0 : i32
      %dma_wait3A_38 = tpu.memref_slice %arg15[%dma_wait3A] : memref<20000xf32, #tpu.memory_space<vmem>> -> memref<6272xf32, #tpu.memory_space<vmem>>
      %dma_wait3A_39 = tpu.memref_slice %arg11[%mul3A_2] : memref<100352xf32, #tpu.memory_space<vmem_shared>> -> memref<6272xf32, #tpu.memory_space<vmem_shared>>
      %dma_wait3A_40 = tpu.memref_slice %arg11[%mul3A_2] : memref<100352xf32, #tpu.memory_space<vmem_shared>> -> memref<6272xf32, #tpu.memory_space<vmem_shared>>
      %dma_wait3A_41 = arith.constant 0 : i32
      %dma_wait3A_42 = tpu.memref_slice %arg15[%dma_wait3A_41] : memref<20000xf32, #tpu.memory_space<vmem>> -> memref<6272xf32, #tpu.memory_space<vmem>>
      tpu.wait_dma2 semaphore(%run_scoped3A_32 : memref<!tpu.dma_semaphore, #tpu.memory_space<semaphore_mem>>) src(%dma_wait3A_42 : memref<6272xf32, #tpu.memory_space<vmem>>) dst(%dma_wait3A_40 : memref<6272xf32, #tpu.memory_space<vmem_shared>>)
      tpu.yield
    }) : () -> ()
    %barrier3A = arith.constant 0 : index
    tpu.barrier barrier_id(%barrier3A)
    %scan3A_25 = arith.constant 0 : i32
    %scan3A_26 = arith.constant 10 : i32
    %scan3A_27 = arith.addi %scan3A_25, %scan3A_26 : i32
    %scan3A_28 = arith.constant 1 : i32
    scf.for %scan3A_32 = %scan3A_25 to %scan3A_27 step %scan3A_28  : i32 {
      %mul3A_33 = arith.constant 200000 : i32
      %mul3A_34 = arith.muli %add3A, %mul3A_33 : i32
      %mul3A_35 = arith.constant 20000 : i32
      %mul3A_36 = arith.muli %scan3A_32, %mul3A_35 : i32
      %add3A_37 = arith.addi %mul3A_34, %mul3A_36 : i32
      "tpu.region"() ({
        %run_scoped3A_88 = tpu.sem_alloc : memref<!tpu.dma_semaphore, #tpu.memory_space<semaphore_mem>>
        %dma_start3A = tpu.memref_slice %arg2[%add3A_37] : memref<6400000xi32, #tpu.memory_space<hbm>> -> memref<20000xi32, #tpu.memory_space<hbm>>
        %dma_start3A_89 = tpu.memref_slice %arg2[%add3A_37] : memref<6400000xi32, #tpu.memory_space<hbm>> -> memref<20000xi32, #tpu.memory_space<hbm>>
        tpu.enqueue_dma source(%dma_start3A_89 : memref<20000xi32, #tpu.memory_space<hbm>>) target(%arg12 : memref<20000xi32, #tpu.memory_space<vmem>>) target_semaphore(%run_scoped3A_88 : memref<!tpu.dma_semaphore, #tpu.memory_space<semaphore_mem>>)
        %dma_wait3A = tpu.memref_slice %arg2[%add3A_37] : memref<6400000xi32, #tpu.memory_space<hbm>> -> memref<20000xi32, #tpu.memory_space<hbm>>
        %dma_wait3A_90 = tpu.memref_slice %arg2[%add3A_37] : memref<6400000xi32, #tpu.memory_space<hbm>> -> memref<20000xi32, #tpu.memory_space<hbm>>
        tpu.wait_dma2 semaphore(%run_scoped3A_88 : memref<!tpu.dma_semaphore, #tpu.memory_space<semaphore_mem>>) src(%dma_wait3A_90 : memref<20000xi32, #tpu.memory_space<hbm>>) dst(%arg12 : memref<20000xi32, #tpu.memory_space<vmem>>)
        tpu.yield
      }) : () -> ()
      "tpu.region"() ({
        %run_scoped3A_88 = tpu.sem_alloc : memref<!tpu.dma_semaphore, #tpu.memory_space<semaphore_mem>>
        %dma_start3A = tpu.memref_slice %arg3[%add3A_37] : memref<6400000xi32, #tpu.memory_space<hbm>> -> memref<20000xi32, #tpu.memory_space<hbm>>
        %dma_start3A_89 = tpu.memref_slice %arg3[%add3A_37] : memref<6400000xi32, #tpu.memory_space<hbm>> -> memref<20000xi32, #tpu.memory_space<hbm>>
        tpu.enqueue_dma source(%dma_start3A_89 : memref<20000xi32, #tpu.memory_space<hbm>>) target(%arg13 : memref<20000xi32, #tpu.memory_space<vmem>>) target_semaphore(%run_scoped3A_88 : memref<!tpu.dma_semaphore, #tpu.memory_space<semaphore_mem>>)
        %dma_wait3A = tpu.memref_slice %arg3[%add3A_37] : memref<6400000xi32, #tpu.memory_space<hbm>> -> memref<20000xi32, #tpu.memory_space<hbm>>
        %dma_wait3A_90 = tpu.memref_slice %arg3[%add3A_37] : memref<6400000xi32, #tpu.memory_space<hbm>> -> memref<20000xi32, #tpu.memory_space<hbm>>
        tpu.wait_dma2 semaphore(%run_scoped3A_88 : memref<!tpu.dma_semaphore, #tpu.memory_space<semaphore_mem>>) src(%dma_wait3A_90 : memref<20000xi32, #tpu.memory_space<hbm>>) dst(%arg13 : memref<20000xi32, #tpu.memory_space<vmem>>)
        tpu.yield
      }) : () -> ()
      "tpu.region"() ({
        %run_scoped3A_88 = tpu.sem_alloc : memref<!tpu.dma_semaphore, #tpu.memory_space<semaphore_mem>>
        %dma_start3A = tpu.memref_slice %arg4[%add3A_37] : memref<6400000xf32, #tpu.memory_space<hbm>> -> memref<20000xf32, #tpu.memory_space<hbm>>
        %dma_start3A_89 = tpu.memref_slice %arg4[%add3A_37] : memref<6400000xf32, #tpu.memory_space<hbm>> -> memref<20000xf32, #tpu.memory_space<hbm>>
        tpu.enqueue_dma source(%dma_start3A_89 : memref<20000xf32, #tpu.memory_space<hbm>>) target(%arg14 : memref<20000xf32, #tpu.memory_space<vmem>>) target_semaphore(%run_scoped3A_88 : memref<!tpu.dma_semaphore, #tpu.memory_space<semaphore_mem>>)
        %dma_wait3A = tpu.memref_slice %arg4[%add3A_37] : memref<6400000xf32, #tpu.memory_space<hbm>> -> memref<20000xf32, #tpu.memory_space<hbm>>
        %dma_wait3A_90 = tpu.memref_slice %arg4[%add3A_37] : memref<6400000xf32, #tpu.memory_space<hbm>> -> memref<20000xf32, #tpu.memory_space<hbm>>
        tpu.wait_dma2 semaphore(%run_scoped3A_88 : memref<!tpu.dma_semaphore, #tpu.memory_space<semaphore_mem>>) src(%dma_wait3A_90 : memref<20000xf32, #tpu.memory_space<hbm>>) dst(%arg14 : memref<20000xf32, #tpu.memory_space<vmem>>)
        tpu.yield
      }) : () -> ()
      "tpu.region"() ({
        %run_scoped3A_88 = tpu.sem_alloc : memref<!tpu.dma_semaphore, #tpu.memory_space<semaphore_mem>>
        %dma_start3A = arith.constant 0 : i32
        %dma_start3A_89 = tpu.memref_slice %arg8[%dma_start3A] : memref<100352xf32, #tpu.memory_space<vmem_shared>> -> memref<100352xf32, #tpu.memory_space<vmem_shared>>
        tpu.enqueue_indirect_dma source(%dma_start3A_89 : memref<100352xf32, #tpu.memory_space<vmem_shared>>) target(%arg15 : memref<20000xf32, #tpu.memory_space<vmem>>) offsets(%arg12 : memref<20000xi32, #tpu.memory_space<vmem>>) semaphore(%run_scoped3A_88 : memref<!tpu.dma_semaphore, #tpu.memory_space<semaphore_mem>>)
        %dma_wait3A = arith.constant 0 : i32
        %dma_wait3A_90 = tpu.memref_slice %arg8[%dma_wait3A] : memref<100352xf32, #tpu.memory_space<vmem_shared>> -> memref<100352xf32, #tpu.memory_space<vmem_shared>>
        tpu.wait_indirect_dma semaphore(%run_scoped3A_88 : memref<!tpu.dma_semaphore, #tpu.memory_space<semaphore_mem>>) src(%dma_wait3A_90 : memref<100352xf32, #tpu.memory_space<vmem_shared>>) dst(%arg15 : memref<20000xf32, #tpu.memory_space<vmem>>)
        tpu.yield
      }) : () -> ()
      "tpu.region"() ({
        %run_scoped3A_88 = tpu.sem_alloc : memref<!tpu.dma_semaphore, #tpu.memory_space<semaphore_mem>>
        %dma_start3A = arith.constant 0 : i32
        %dma_start3A_89 = tpu.memref_slice %arg9[%dma_start3A] : memref<100352xf32, #tpu.memory_space<vmem_shared>> -> memref<100352xf32, #tpu.memory_space<vmem_shared>>
        tpu.enqueue_indirect_dma source(%dma_start3A_89 : memref<100352xf32, #tpu.memory_space<vmem_shared>>) target(%arg16 : memref<20000xf32, #tpu.memory_space<vmem>>) offsets(%arg12 : memref<20000xi32, #tpu.memory_space<vmem>>) semaphore(%run_scoped3A_88 : memref<!tpu.dma_semaphore, #tpu.memory_space<semaphore_mem>>)
        %dma_wait3A = arith.constant 0 : i32
        %dma_wait3A_90 = tpu.memref_slice %arg9[%dma_wait3A] : memref<100352xf32, #tpu.memory_space<vmem_shared>> -> memref<100352xf32, #tpu.memory_space<vmem_shared>>
        tpu.wait_indirect_dma semaphore(%run_scoped3A_88 : memref<!tpu.dma_semaphore, #tpu.memory_space<semaphore_mem>>) src(%dma_wait3A_90 : memref<100352xf32, #tpu.memory_space<vmem_shared>>) dst(%arg16 : memref<20000xf32, #tpu.memory_space<vmem>>)
        tpu.yield
      }) : () -> ()
      %scan3A_38 = arith.constant 0 : i32
      %scan3A_39 = arith.constant 1248 : i32
      %scan3A_40 = arith.addi %scan3A_38, %scan3A_39 : i32
      %scan3A_41 = arith.constant 4 : i32
      scf.for %scan3A_88 = %scan3A_38 to %scan3A_40 step %scan3A_41  : i32 {
        %mul3A_89 = arith.constant 16 : i32
        %mul3A_90 = arith.muli %scan3A_88, %mul3A_89 : i32
        %get3A_91 = arith.index_cast %mul3A_90 : i32 to index
        %get3A_92 = tpu.vector_load %arg14[%get3A_91] {strides = array<i32>} : memref<20000xf32, #tpu.memory_space<vmem>>, vector<16xf32>,
        %get3A_93 = vector.shape_cast %get3A_92 : vector<16xf32> to vector<16xf32>
        %get3A_94 = arith.index_cast %mul3A_90 : i32 to index
        %get3A_95 = tpu.vector_load %arg15[%get3A_94] {strides = array<i32>} : memref<20000xf32, #tpu.memory_space<vmem>>, vector<16xf32>,
        %get3A_96 = vector.shape_cast %get3A_95 : vector<16xf32> to vector<16xf32>
        %mul3A_97 = arith.mulf %get3A_96, %get3A_93 : vector<16xf32>
        %swap3A_98 = arith.index_cast %mul3A_90 : i32 to index
        %swap3A_99 = tpu.vector_load %arg15[%swap3A_98] {strides = array<i32>} : memref<20000xf32, #tpu.memory_space<vmem>>, vector<16xf32>,
        %swap3A_100 = vector.shape_cast %swap3A_99 : vector<16xf32> to vector<16xf32>
        %swap3A_101 = vector.shape_cast %mul3A_97 : vector<16xf32> to vector<16xf32>
        tpu.vector_store %arg15[%swap3A_98], %swap3A_101 {strides = array<i32>} : memref<20000xf32, #tpu.memory_space<vmem>>, vector<16xf32>,
        %get3A_102 = arith.index_cast %mul3A_90 : i32 to index
        %get3A_103 = tpu.vector_load %arg16[%get3A_102] {strides = array<i32>} : memref<20000xf32, #tpu.memory_space<vmem>>, vector<16xf32>,
        %get3A_104 = vector.shape_cast %get3A_103 : vector<16xf32> to vector<16xf32>
        %mul3A_105 = arith.mulf %get3A_104, %get3A_93 : vector<16xf32>
        %swap3A_106 = arith.index_cast %mul3A_90 : i32 to index
        %swap3A_107 = tpu.vector_load %arg16[%swap3A_106] {strides = array<i32>} : memref<20000xf32, #tpu.memory_space<vmem>>, vector<16xf32>,
        %swap3A_108 = vector.shape_cast %swap3A_107 : vector<16xf32> to vector<16xf32>
        %swap3A_109 = vector.shape_cast %mul3A_105 : vector<16xf32> to vector<16xf32>
        tpu.vector_store %arg16[%swap3A_106], %swap3A_109 {strides = array<i32>} : memref<20000xf32, #tpu.memory_space<vmem>>, vector<16xf32>,
        %scan3A_110 = arith.constant 1 : i32
        %scan3A_111 = arith.addi %scan3A_88, %scan3A_110 : i32
        %mul3A_112 = arith.constant 16 : i32
        %mul3A_113 = arith.muli %scan3A_111, %mul3A_112 : i32
        %get3A_114 = arith.index_cast %mul3A_113 : i32 to index
        %get3A_115 = tpu.vector_load %arg14[%get3A_114] {strides = array<i32>} : memref<20000xf32, #tpu.memory_space<vmem>>, vector<16xf32>,
        %get3A_116 = vector.shape_cast %get3A_115 : vector<16xf32> to vector<16xf32>
        %get3A_117 = arith.index_cast %mul3A_113 : i32 to index
        %get3A_118 = tpu.vector_load %arg15[%get3A_117] {strides = array<i32>} : memref<20000xf32, #tpu.memory_space<vmem>>, vector<16xf32>,
        %get3A_119 = vector.shape_cast %get3A_118 : vector<16xf32> to vector<16xf32>
        %mul3A_120 = arith.mulf %get3A_119, %get3A_116 : vector<16xf32>
        %swap3A_121 = arith.index_cast %mul3A_113 : i32 to index
        %swap3A_122 = tpu.vector_load %arg15[%swap3A_121] {strides = array<i32>} : memref<20000xf32, #tpu.memory_space<vmem>>, vector<16xf32>,
        %swap3A_123 = vector.shape_cast %swap3A_122 : vector<16xf32> to vector<16xf32>
        %swap3A_124 = vector.shape_cast %mul3A_120 : vector<16xf32> to vector<16xf32>
        tpu.vector_store %arg15[%swap3A_121], %swap3A_124 {strides = array<i32>} : memref<20000xf32, #tpu.memory_space<vmem>>, vector<16xf32>,
        %get3A_125 = arith.index_cast %mul3A_113 : i32 to index
        %get3A_126 = tpu.vector_load %arg16[%get3A_125] {strides = array<i32>} : memref<20000xf32, #tpu.memory_space<vmem>>, vector<16xf32>,
        %get3A_127 = vector.shape_cast %get3A_126 : vector<16xf32> to vector<16xf32>
        %mul3A_128 = arith.mulf %get3A_127, %get3A_116 : vector<16xf32>
        %swap3A_129 = arith.index_cast %mul3A_113 : i32 to index
        %swap3A_130 = tpu.vector_load %arg16[%swap3A_129] {strides = array<i32>} : memref<20000xf32, #tpu.memory_space<vmem>>, vector<16xf32>,
        %swap3A_131 = vector.shape_cast %swap3A_130 : vector<16xf32> to vector<16xf32>
        %swap3A_132 = vector.shape_cast %mul3A_128 : vector<16xf32> to vector<16xf32>
        tpu.vector_store %arg16[%swap3A_129], %swap3A_132 {strides = array<i32>} : memref<20000xf32, #tpu.memory_space<vmem>>, vector<16xf32>,
        %scan3A_133 = arith.constant 2 : i32
        %scan3A_134 = arith.addi %scan3A_88, %scan3A_133 : i32
        %mul3A_135 = arith.constant 16 : i32
        %mul3A_136 = arith.muli %scan3A_134, %mul3A_135 : i32
        %get3A_137 = arith.index_cast %mul3A_136 : i32 to index
        %get3A_138 = tpu.vector_load %arg14[%get3A_137] {strides = array<i32>} : memref<20000xf32, #tpu.memory_space<vmem>>, vector<16xf32>,
        %get3A_139 = vector.shape_cast %get3A_138 : vector<16xf32> to vector<16xf32>
        %get3A_140 = arith.index_cast %mul3A_136 : i32 to index
        %get3A_141 = tpu.vector_load %arg15[%get3A_140] {strides = array<i32>} : memref<20000xf32, #tpu.memory_space<vmem>>, vector<16xf32>,
        %get3A_142 = vector.shape_cast %get3A_141 : vector<16xf32> to vector<16xf32>
        %mul3A_143 = arith.mulf %get3A_142, %get3A_139 : vector<16xf32>
        %swap3A_144 = arith.index_cast %mul3A_136 : i32 to index
        %swap3A_145 = tpu.vector_load %arg15[%swap3A_144] {strides = array<i32>} : memref<20000xf32, #tpu.memory_space<vmem>>, vector<16xf32>,
        %swap3A_146 = vector.shape_cast %swap3A_145 : vector<16xf32> to vector<16xf32>
        %swap3A_147 = vector.shape_cast %mul3A_143 : vector<16xf32> to vector<16xf32>
        tpu.vector_store %arg15[%swap3A_144], %swap3A_147 {strides = array<i32>} : memref<20000xf32, #tpu.memory_space<vmem>>, vector<16xf32>,
        %get3A_148 = arith.index_cast %mul3A_136 : i32 to index
        %get3A_149 = tpu.vector_load %arg16[%get3A_148] {strides = array<i32>} : memref<20000xf32, #tpu.memory_space<vmem>>, vector<16xf32>,
        %get3A_150 = vector.shape_cast %get3A_149 : vector<16xf32> to vector<16xf32>
        %mul3A_151 = arith.mulf %get3A_150, %get3A_139 : vector<16xf32>
        %swap3A_152 = arith.index_cast %mul3A_136 : i32 to index
        %swap3A_153 = tpu.vector_load %arg16[%swap3A_152] {strides = array<i32>} : memref<20000xf32, #tpu.memory_space<vmem>>, vector<16xf32>,
        %swap3A_154 = vector.shape_cast %swap3A_153 : vector<16xf32> to vector<16xf32>
        %swap3A_155 = vector.shape_cast %mul3A_151 : vector<16xf32> to vector<16xf32>
        tpu.vector_store %arg16[%swap3A_152], %swap3A_155 {strides = array<i32>} : memref<20000xf32, #tpu.memory_space<vmem>>, vector<16xf32>,
        %scan3A_156 = arith.constant 3 : i32
        %scan3A_157 = arith.addi %scan3A_88, %scan3A_156 : i32
        %mul3A_158 = arith.constant 16 : i32
        %mul3A_159 = arith.muli %scan3A_157, %mul3A_158 : i32
        %get3A_160 = arith.index_cast %mul3A_159 : i32 to index
        %get3A_161 = tpu.vector_load %arg14[%get3A_160] {strides = array<i32>} : memref<20000xf32, #tpu.memory_space<vmem>>, vector<16xf32>,
        %get3A_162 = vector.shape_cast %get3A_161 : vector<16xf32> to vector<16xf32>
        %get3A_163 = arith.index_cast %mul3A_159 : i32 to index
        %get3A_164 = tpu.vector_load %arg15[%get3A_163] {strides = array<i32>} : memref<20000xf32, #tpu.memory_space<vmem>>, vector<16xf32>,
        %get3A_165 = vector.shape_cast %get3A_164 : vector<16xf32> to vector<16xf32>
        %mul3A_166 = arith.mulf %get3A_165, %get3A_162 : vector<16xf32>
        %swap3A_167 = arith.index_cast %mul3A_159 : i32 to index
        %swap3A_168 = tpu.vector_load %arg15[%swap3A_167] {strides = array<i32>} : memref<20000xf32, #tpu.memory_space<vmem>>, vector<16xf32>,
        %swap3A_169 = vector.shape_cast %swap3A_168 : vector<16xf32> to vector<16xf32>
        %swap3A_170 = vector.shape_cast %mul3A_166 : vector<16xf32> to vector<16xf32>
        tpu.vector_store %arg15[%swap3A_167], %swap3A_170 {strides = array<i32>} : memref<20000xf32, #tpu.memory_space<vmem>>, vector<16xf32>,
        %get3A_171 = arith.index_cast %mul3A_159 : i32 to index
        %get3A_172 = tpu.vector_load %arg16[%get3A_171] {strides = array<i32>} : memref<20000xf32, #tpu.memory_space<vmem>>, vector<16xf32>,
        %get3A_173 = vector.shape_cast %get3A_172 : vector<16xf32> to vector<16xf32>
        %mul3A_174 = arith.mulf %get3A_173, %get3A_162 : vector<16xf32>
        %swap3A_175 = arith.index_cast %mul3A_159 : i32 to index
        %swap3A_176 = tpu.vector_load %arg16[%swap3A_175] {strides = array<i32>} : memref<20000xf32, #tpu.memory_space<vmem>>, vector<16xf32>,
        %swap3A_177 = vector.shape_cast %swap3A_176 : vector<16xf32> to vector<16xf32>
        %swap3A_178 = vector.shape_cast %mul3A_174 : vector<16xf32> to vector<16xf32>
        tpu.vector_store %arg16[%swap3A_175], %swap3A_178 {strides = array<i32>} : memref<20000xf32, #tpu.memory_space<vmem>>, vector<16xf32>,
      }
      %scan3A_42 = arith.constant 1248 : i32
      %scan3A_43 = arith.addi %scan3A_38, %scan3A_42 : i32
      %mul3A_44 = arith.constant 16 : i32
      %mul3A_45 = arith.muli %scan3A_43, %mul3A_44 : i32
      %get3A = arith.index_cast %mul3A_45 : i32 to index
      %get3A_46 = tpu.vector_load %arg14[%get3A] {strides = array<i32>} : memref<20000xf32, #tpu.memory_space<vmem>>, vector<16xf32>,
      %get3A_47 = vector.shape_cast %get3A_46 : vector<16xf32> to vector<16xf32>
      %get3A_48 = arith.index_cast %mul3A_45 : i32 to index
      %get3A_49 = tpu.vector_load %arg15[%get3A_48] {strides = array<i32>} : memref<20000xf32, #tpu.memory_space<vmem>>, vector<16xf32>,
      %get3A_50 = vector.shape_cast %get3A_49 : vector<16xf32> to vector<16xf32>
      %mul3A_51 = arith.mulf %get3A_50, %get3A_47 : vector<16xf32>
      %swap3A_52 = arith.index_cast %mul3A_45 : i32 to index
      %swap3A_53 = tpu.vector_load %arg15[%swap3A_52] {strides = array<i32>} : memref<20000xf32, #tpu.memory_space<vmem>>, vector<16xf32>,
      %swap3A_54 = vector.shape_cast %swap3A_53 : vector<16xf32> to vector<16xf32>
      %swap3A_55 = vector.shape_cast %mul3A_51 : vector<16xf32> to vector<16xf32>
      tpu.vector_store %arg15[%swap3A_52], %swap3A_55 {strides = array<i32>} : memref<20000xf32, #tpu.memory_space<vmem>>, vector<16xf32>,
      %get3A_56 = arith.index_cast %mul3A_45 : i32 to index
      %get3A_57 = tpu.vector_load %arg16[%get3A_56] {strides = array<i32>} : memref<20000xf32, #tpu.memory_space<vmem>>, vector<16xf32>,
      %get3A_58 = vector.shape_cast %get3A_57 : vector<16xf32> to vector<16xf32>
      %mul3A_59 = arith.mulf %get3A_58, %get3A_47 : vector<16xf32>
      %swap3A_60 = arith.index_cast %mul3A_45 : i32 to index
      %swap3A_61 = tpu.vector_load %arg16[%swap3A_60] {strides = array<i32>} : memref<20000xf32, #tpu.memory_space<vmem>>, vector<16xf32>,
      %swap3A_62 = vector.shape_cast %swap3A_61 : vector<16xf32> to vector<16xf32>
      %swap3A_63 = vector.shape_cast %mul3A_59 : vector<16xf32> to vector<16xf32>
      tpu.vector_store %arg16[%swap3A_60], %swap3A_63 {strides = array<i32>} : memref<20000xf32, #tpu.memory_space<vmem>>, vector<16xf32>,
      %scan3A_64 = arith.constant 1249 : i32
      %scan3A_65 = arith.addi %scan3A_38, %scan3A_64 : i32
      %mul3A_66 = arith.constant 16 : i32
      %mul3A_67 = arith.muli %scan3A_65, %mul3A_66 : i32
      %get3A_68 = arith.index_cast %mul3A_67 : i32 to index
      %get3A_69 = tpu.vector_load %arg14[%get3A_68] {strides = array<i32>} : memref<20000xf32, #tpu.memory_space<vmem>>, vector<16xf32>,
      %get3A_70 = vector.shape_cast %get3A_69 : vector<16xf32> to vector<16xf32>
      %get3A_71 = arith.index_cast %mul3A_67 : i32 to index
      %get3A_72 = tpu.vector_load %arg15[%get3A_71] {strides = array<i32>} : memref<20000xf32, #tpu.memory_space<vmem>>, vector<16xf32>,
      %get3A_73 = vector.shape_cast %get3A_72 : vector<16xf32> to vector<16xf32>
      %mul3A_74 = arith.mulf %get3A_73, %get3A_70 : vector<16xf32>
      %swap3A_75 = arith.index_cast %mul3A_67 : i32 to index
      %swap3A_76 = tpu.vector_load %arg15[%swap3A_75] {strides = array<i32>} : memref<20000xf32, #tpu.memory_space<vmem>>, vector<16xf32>,
      %swap3A_77 = vector.shape_cast %swap3A_76 : vector<16xf32> to vector<16xf32>
      %swap3A_78 = vector.shape_cast %mul3A_74 : vector<16xf32> to vector<16xf32>
      tpu.vector_store %arg15[%swap3A_75], %swap3A_78 {strides = array<i32>} : memref<20000xf32, #tpu.memory_space<vmem>>, vector<16xf32>,
      %get3A_79 = arith.index_cast %mul3A_67 : i32 to index
      %get3A_80 = tpu.vector_load %arg16[%get3A_79] {strides = array<i32>} : memref<20000xf32, #tpu.memory_space<vmem>>, vector<16xf32>,
      %get3A_81 = vector.shape_cast %get3A_80 : vector<16xf32> to vector<16xf32>
      %mul3A_82 = arith.mulf %get3A_81, %get3A_70 : vector<16xf32>
      %swap3A_83 = arith.index_cast %mul3A_67 : i32 to index
      %swap3A_84 = tpu.vector_load %arg16[%swap3A_83] {strides = array<i32>} : memref<20000xf32, #tpu.memory_space<vmem>>, vector<16xf32>,
      %swap3A_85 = vector.shape_cast %swap3A_84 : vector<16xf32> to vector<16xf32>
      %swap3A_86 = vector.shape_cast %mul3A_82 : vector<16xf32> to vector<16xf32>
      tpu.vector_store %arg16[%swap3A_83], %swap3A_86 {strides = array<i32>} : memref<20000xf32, #tpu.memory_space<vmem>>, vector<16xf32>,
      %scan3A_87 = arith.constant 1250 : i32
      "tpu.region"() ({
        %run_scoped3A_88 = tpu.sem_alloc : memref<!tpu.dma_semaphore, #tpu.memory_space<semaphore_mem>>
        %dma_start3A = arith.constant 0 : i32
        %dma_start3A_89 = tpu.memref_slice %arg10[%dma_start3A] : memref<100352xf32, #tpu.memory_space<vmem_shared>> -> memref<100352xf32, #tpu.memory_space<vmem_shared>>
        tpu.enqueue_indirect_dma source(%arg15 : memref<20000xf32, #tpu.memory_space<vmem>>) target(%dma_start3A_89 : memref<100352xf32, #tpu.memory_space<vmem_shared>>) offsets(%arg13 : memref<20000xi32, #tpu.memory_space<vmem>>) semaphore(%run_scoped3A_88 : memref<!tpu.dma_semaphore, #tpu.memory_space<semaphore_mem>>) {add = true}
        %dma_wait3A = arith.constant 0 : i32
        %dma_wait3A_90 = tpu.memref_slice %arg10[%dma_wait3A] : memref<100352xf32, #tpu.memory_space<vmem_shared>> -> memref<100352xf32, #tpu.memory_space<vmem_shared>>
        tpu.wait_indirect_dma semaphore(%run_scoped3A_88 : memref<!tpu.dma_semaphore, #tpu.memory_space<semaphore_mem>>) src(%arg15 : memref<20000xf32, #tpu.memory_space<vmem>>) dst(%dma_wait3A_90 : memref<100352xf32, #tpu.memory_space<vmem_shared>>)
        tpu.yield
      }) : () -> ()
      "tpu.region"() ({
        %run_scoped3A_88 = tpu.sem_alloc : memref<!tpu.dma_semaphore, #tpu.memory_space<semaphore_mem>>
        %dma_start3A = arith.constant 0 : i32
        %dma_start3A_89 = tpu.memref_slice %arg11[%dma_start3A] : memref<100352xf32, #tpu.memory_space<vmem_shared>> -> memref<100352xf32, #tpu.memory_space<vmem_shared>>
        tpu.enqueue_indirect_dma source(%arg16 : memref<20000xf32, #tpu.memory_space<vmem>>) target(%dma_start3A_89 : memref<100352xf32, #tpu.memory_space<vmem_shared>>) offsets(%arg13 : memref<20000xi32, #tpu.memory_space<vmem>>) semaphore(%run_scoped3A_88 : memref<!tpu.dma_semaphore, #tpu.memory_space<semaphore_mem>>) {add = true}
        %dma_wait3A = arith.constant 0 : i32
        %dma_wait3A_90 = tpu.memref_slice %arg11[%dma_wait3A] : memref<100352xf32, #tpu.memory_space<vmem_shared>> -> memref<100352xf32, #tpu.memory_space<vmem_shared>>
        tpu.wait_indirect_dma semaphore(%run_scoped3A_88 : memref<!tpu.dma_semaphore, #tpu.memory_space<semaphore_mem>>) src(%arg16 : memref<20000xf32, #tpu.memory_space<vmem>>) dst(%dma_wait3A_90 : memref<100352xf32, #tpu.memory_space<vmem_shared>>)
        tpu.yield
      }) : () -> ()
    }
    %scan3A_29 = arith.constant 10 : i32
    %barrier3A_30 = arith.constant 0 : index
    tpu.barrier barrier_id(%barrier3A_30)
    %run_scoped3A = arith.constant 0 : i32
    "tpu.region"() ({
      %run_scoped3A_32 = tpu.sem_alloc : memref<!tpu.dma_semaphore, #tpu.memory_space<semaphore_mem>>
      %dma_start3A = tpu.memref_slice %arg7[%arg0, %run_scoped3A, %mul3A_2] : memref<2x2x100352xf32, #tpu.memory_space<hbm>> -> memref<1x1x6272xf32, #tpu.memory_space<hbm>>
      %dma_start3A_33 = tpu.memref_squeeze %dma_start3A : memref<1x1x6272xf32, #tpu.memory_space<hbm>> -> memref<6272xf32, #tpu.memory_space<hbm>>
      %dma_start3A_34 = tpu.memref_slice %arg10[%mul3A_2] : memref<100352xf32, #tpu.memory_space<vmem_shared>> -> memref<6272xf32, #tpu.memory_space<vmem_shared>>
      tpu.enqueue_dma source(%dma_start3A_34 : memref<6272xf32, #tpu.memory_space<vmem_shared>>) target(%dma_start3A_33 : memref<6272xf32, #tpu.memory_space<hbm>>) target_semaphore(%run_scoped3A_32 : memref<!tpu.dma_semaphore, #tpu.memory_space<semaphore_mem>>)
      %dma_wait3A = tpu.memref_slice %arg7[%arg0, %run_scoped3A, %mul3A_2] : memref<2x2x100352xf32, #tpu.memory_space<hbm>> -> memref<1x1x6272xf32, #tpu.memory_space<hbm>>
      %dma_wait3A_35 = tpu.memref_squeeze %dma_wait3A : memref<1x1x6272xf32, #tpu.memory_space<hbm>> -> memref<6272xf32, #tpu.memory_space<hbm>>
      %dma_wait3A_36 = tpu.memref_slice %arg10[%mul3A_2] : memref<100352xf32, #tpu.memory_space<vmem_shared>> -> memref<6272xf32, #tpu.memory_space<vmem_shared>>
      tpu.wait_dma2 semaphore(%run_scoped3A_32 : memref<!tpu.dma_semaphore, #tpu.memory_space<semaphore_mem>>) src(%dma_wait3A_36 : memref<6272xf32, #tpu.memory_space<vmem_shared>>) dst(%dma_wait3A_35 : memref<6272xf32, #tpu.memory_space<hbm>>)
      tpu.yield
    }) : () -> ()
    %run_scoped3A_31 = arith.constant 1 : i32
    "tpu.region"() ({
      %run_scoped3A_32 = tpu.sem_alloc : memref<!tpu.dma_semaphore, #tpu.memory_space<semaphore_mem>>
      %dma_start3A = tpu.memref_slice %arg7[%arg0, %run_scoped3A_31, %mul3A_2] : memref<2x2x100352xf32, #tpu.memory_space<hbm>> -> memref<1x1x6272xf32, #tpu.memory_space<hbm>>
      %dma_start3A_33 = tpu.memref_squeeze %dma_start3A : memref<1x1x6272xf32, #tpu.memory_space<hbm>> -> memref<6272xf32, #tpu.memory_space<hbm>>
      %dma_start3A_34 = tpu.memref_slice %arg11[%mul3A_2] : memref<100352xf32, #tpu.memory_space<vmem_shared>> -> memref<6272xf32, #tpu.memory_space<vmem_shared>>
      tpu.enqueue_dma source(%dma_start3A_34 : memref<6272xf32, #tpu.memory_space<vmem_shared>>) target(%dma_start3A_33 : memref<6272xf32, #tpu.memory_space<hbm>>) target_semaphore(%run_scoped3A_32 : memref<!tpu.dma_semaphore, #tpu.memory_space<semaphore_mem>>)
      %dma_wait3A = tpu.memref_slice %arg7[%arg0, %run_scoped3A_31, %mul3A_2] : memref<2x2x100352xf32, #tpu.memory_space<hbm>> -> memref<1x1x6272xf32, #tpu.memory_space<hbm>>
      %dma_wait3A_35 = tpu.memref_squeeze %dma_wait3A : memref<1x1x6272xf32, #tpu.memory_space<hbm>> -> memref<6272xf32, #tpu.memory_space<hbm>>
      %dma_wait3A_36 = tpu.memref_slice %arg11[%mul3A_2] : memref<100352xf32, #tpu.memory_space<vmem_shared>> -> memref<6272xf32, #tpu.memory_space<vmem_shared>>
      tpu.wait_dma2 semaphore(%run_scoped3A_32 : memref<!tpu.dma_semaphore, #tpu.memory_space<semaphore_mem>>) src(%dma_wait3A_36 : memref<6272xf32, #tpu.memory_space<vmem_shared>>) dst(%dma_wait3A_35 : memref<6272xf32, #tpu.memory_space<hbm>>)
      tpu.yield
    }) : () -> ()
    return
  }
}

module attributes {stable_mosaic.version = 14 : i64} {
  func.func @body(%arg0: memref<784x128xf32, #tpu.memory_space<vmem>>, %arg1: memref<784x128xf32, #tpu.memory_space<vmem>>, %arg2: memref<784x128xf32, #tpu.memory_space<vmem>>, %arg3: memref<784x128xf32, #tpu.memory_space<vmem>>, %arg4: memref<784x128xf32, #tpu.memory_space<vmem>>, %arg5: memref<784x128xf32, #tpu.memory_space<vmem>>, %arg6: memref<784x128xf32, #tpu.memory_space<vmem>>) attributes {dimension_semantics = [], scalar_prefetch = 0 : i64, scratch_operands = 0 : i64, tpu.core_type = #tpu.core_type<tc>} {
    %get3A = arith.constant 0 : index
    %get3A_0 = arith.constant 0 : index
    %get3A_1 = vector.load %arg0[%get3A, %get3A_0] : memref<784x128xf32, #tpu.memory_space<vmem>>, vector<784x128xf32>
    %get3A_2 = arith.constant 0 : index
    %get3A_3 = arith.constant 0 : index
    %get3A_4 = vector.load %arg1[%get3A_2, %get3A_3] : memref<784x128xf32, #tpu.memory_space<vmem>>, vector<784x128xf32>
    %add3A = arith.addf %get3A_1, %get3A_4 : vector<784x128xf32>
    %gt3A = arith.constant 0.000000e+00 : f32
    %gt3A_5 = vector.broadcast %gt3A : f32 to vector<784x128xf32>
    %gt3A_6 = arith.cmpf ogt, %add3A, %gt3A_5 : vector<784x128xf32>
    %jit3A = arith.constant 1.000000e+00 : f32
    %broadcast_in_dim3A = vector.broadcast %jit3A : f32 to vector<784x128xf32>
    %select_n3A = arith.select %gt3A_6, %add3A, %broadcast_in_dim3A : vector<784x128xi1>, vector<784x128xf32>
    %gt3A_7 = arith.constant 0.000000e+00 : f32
    %gt3A_8 = vector.broadcast %gt3A_7 : f32 to vector<784x128xf32>
    %gt3A_9 = arith.cmpf ogt, %add3A, %gt3A_8 : vector<784x128xf32>
    %sqrt3A = math.sqrt %select_n3A : vector<784x128xf32>
    %div3A = arith.constant 1.000000e+00 : f32
    %div3A_10 = vector.broadcast %div3A : f32 to vector<784x128xf32>
    %div3A_11 = arith.divf %div3A_10, %sqrt3A : vector<784x128xf32>
    %jit3A_12 = arith.constant 0.000000e+00 : f32
    %broadcast_in_dim3A_13 = vector.broadcast %jit3A_12 : f32 to vector<784x128xf32>
    %select_n3A_14 = arith.select %gt3A_9, %div3A_11, %broadcast_in_dim3A_13 : vector<784x128xi1>, vector<784x128xf32>
    %swap3A = arith.constant 0 : index
    %swap3A_15 = arith.constant 0 : index
    %swap3A_16 = vector.load %arg4[%swap3A, %swap3A_15] : memref<784x128xf32, #tpu.memory_space<vmem>>, vector<784x128xf32>
    tpu.vector_store %arg4[%swap3A, %swap3A_15], %select_n3A_14 {strides = array<i32>} : memref<784x128xf32, #tpu.memory_space<vmem>>, vector<784x128xf32>,
    %get3A_17 = arith.constant 0 : index
    %get3A_18 = arith.constant 0 : index
    %get3A_19 = vector.load %arg2[%get3A_17, %get3A_18] : memref<784x128xf32, #tpu.memory_space<vmem>>, vector<784x128xf32>
    %mul3A = arith.mulf %select_n3A_14, %get3A_19 : vector<784x128xf32>
    %swap3A_20 = arith.constant 0 : index
    %swap3A_21 = arith.constant 0 : index
    %swap3A_22 = vector.load %arg5[%swap3A_20, %swap3A_21] : memref<784x128xf32, #tpu.memory_space<vmem>>, vector<784x128xf32>
    tpu.vector_store %arg5[%swap3A_20, %swap3A_21], %mul3A {strides = array<i32>} : memref<784x128xf32, #tpu.memory_space<vmem>>, vector<784x128xf32>,
    %get3A_23 = arith.constant 0 : index
    %get3A_24 = arith.constant 0 : index
    %get3A_25 = vector.load %arg3[%get3A_23, %get3A_24] : memref<784x128xf32, #tpu.memory_space<vmem>>, vector<784x128xf32>
    %mul3A_26 = arith.mulf %select_n3A_14, %get3A_25 : vector<784x128xf32>
    %swap3A_27 = arith.constant 0 : index
    %swap3A_28 = arith.constant 0 : index
    %swap3A_29 = vector.load %arg6[%swap3A_27, %swap3A_28] : memref<784x128xf32, #tpu.memory_space<vmem>>, vector<784x128xf32>
    tpu.vector_store %arg6[%swap3A_27, %swap3A_28], %mul3A_26 {strides = array<i32>} : memref<784x128xf32, #tpu.memory_space<vmem>>, vector<784x128xf32>,
    return
  }
}

module attributes {stable_mosaic.version = 14 : i64} {
  func.func @body(%arg0: memref<784x128xf32, #tpu.memory_space<vmem>>, %arg1: memref<784x128xf32, #tpu.memory_space<vmem>>, %arg2: memref<784x128xf32, #tpu.memory_space<vmem>>, %arg3: memref<784x128xf32, #tpu.memory_space<vmem>>, %arg4: memref<784x128xf32, #tpu.memory_space<vmem>>, %arg5: memref<784x128xf32, #tpu.memory_space<vmem>>, %arg6: memref<784x128xf32, #tpu.memory_space<vmem>>, %arg7: memref<784x128xf32, #tpu.memory_space<vmem>>, %arg8: memref<784x128xf32, #tpu.memory_space<vmem>>) attributes {dimension_semantics = [], scalar_prefetch = 0 : i64, scratch_operands = 0 : i64, tpu.core_type = #tpu.core_type<tc>} {
    %get3A = arith.constant 0 : index
    %get3A_0 = arith.constant 0 : index
    %get3A_1 = vector.load %arg0[%get3A, %get3A_0] : memref<784x128xf32, #tpu.memory_space<vmem>>, vector<784x128xf32>
    %neg3A = arith.constant 0.000000e+00 : f32
    %neg3A_2 = vector.broadcast %neg3A : f32 to vector<784x128xf32>
    %neg3A_3 = arith.subf %neg3A_2, %get3A_1 : vector<784x128xf32>
    %get3A_4 = arith.constant 0 : index
    %get3A_5 = arith.constant 0 : index
    %get3A_6 = vector.load %arg1[%get3A_4, %get3A_5] : memref<784x128xf32, #tpu.memory_space<vmem>>, vector<784x128xf32>
    %get3A_7 = arith.constant 0 : index
    %get3A_8 = arith.constant 0 : index
    %get3A_9 = vector.load %arg3[%get3A_7, %get3A_8] : memref<784x128xf32, #tpu.memory_space<vmem>>, vector<784x128xf32>
    %add3A = arith.addf %get3A_6, %get3A_9 : vector<784x128xf32>
    %mul3A = arith.mulf %neg3A_3, %add3A : vector<784x128xf32>
    %neg3A_10 = arith.constant 0.000000e+00 : f32
    %neg3A_11 = vector.broadcast %neg3A_10 : f32 to vector<784x128xf32>
    %neg3A_12 = arith.subf %neg3A_11, %get3A_1 : vector<784x128xf32>
    %get3A_13 = arith.constant 0 : index
    %get3A_14 = arith.constant 0 : index
    %get3A_15 = vector.load %arg2[%get3A_13, %get3A_14] : memref<784x128xf32, #tpu.memory_space<vmem>>, vector<784x128xf32>
    %get3A_16 = arith.constant 0 : index
    %get3A_17 = arith.constant 0 : index
    %get3A_18 = vector.load %arg4[%get3A_16, %get3A_17] : memref<784x128xf32, #tpu.memory_space<vmem>>, vector<784x128xf32>
    %add3A_19 = arith.addf %get3A_15, %get3A_18 : vector<784x128xf32>
    %mul3A_20 = arith.mulf %neg3A_12, %add3A_19 : vector<784x128xf32>
    %swap3A = arith.constant 0 : index
    %swap3A_21 = arith.constant 0 : index
    %swap3A_22 = vector.load %arg5[%swap3A, %swap3A_21] : memref<784x128xf32, #tpu.memory_space<vmem>>, vector<784x128xf32>
    tpu.vector_store %arg5[%swap3A, %swap3A_21], %mul3A {strides = array<i32>} : memref<784x128xf32, #tpu.memory_space<vmem>>, vector<784x128xf32>,
    %swap3A_23 = arith.constant 0 : index
    %swap3A_24 = arith.constant 0 : index
    %swap3A_25 = vector.load %arg6[%swap3A_23, %swap3A_24] : memref<784x128xf32, #tpu.memory_space<vmem>>, vector<784x128xf32>
    tpu.vector_store %arg6[%swap3A_23, %swap3A_24], %mul3A_20 {strides = array<i32>} : memref<784x128xf32, #tpu.memory_space<vmem>>, vector<784x128xf32>,
    %mul3A_26 = arith.mulf %get3A_1, %mul3A : vector<784x128xf32>
    %swap3A_27 = arith.constant 0 : index
    %swap3A_28 = arith.constant 0 : index
    %swap3A_29 = vector.load %arg7[%swap3A_27, %swap3A_28] : memref<784x128xf32, #tpu.memory_space<vmem>>, vector<784x128xf32>
    tpu.vector_store %arg7[%swap3A_27, %swap3A_28], %mul3A_26 {strides = array<i32>} : memref<784x128xf32, #tpu.memory_space<vmem>>, vector<784x128xf32>,
    %mul3A_30 = arith.mulf %get3A_1, %mul3A_20 : vector<784x128xf32>
    %swap3A_31 = arith.constant 0 : index
    %swap3A_32 = arith.constant 0 : index
    %swap3A_33 = vector.load %arg8[%swap3A_31, %swap3A_32] : memref<784x128xf32, #tpu.memory_space<vmem>>, vector<784x128xf32>
    tpu.vector_store %arg8[%swap3A_31, %swap3A_32], %mul3A_30 {strides = array<i32>} : memref<784x128xf32, #tpu.memory_space<vmem>>, vector<784x128xf32>,
    return
  }
}

module attributes {stable_mosaic.version = 14 : i64} {
  func.func @body(%arg0: memref<784x128xf32, #tpu.memory_space<vmem>>, %arg1: memref<784x128xf32, #tpu.memory_space<vmem>>, %arg2: memref<784x128xf32, #tpu.memory_space<vmem>>, %arg3: memref<784x128xf32, #tpu.memory_space<vmem>>, %arg4: memref<784x128xf32, #tpu.memory_space<vmem>>, %arg5: memref<784x128xf32, #tpu.memory_space<vmem>>, %arg6: memref<784x128xf32, #tpu.memory_space<vmem>>, %arg7: memref<784x128xf32, #tpu.memory_space<vmem>>, %arg8: memref<784x128xf32, #tpu.memory_space<vmem>>, %arg9: memref<784x128xf32, #tpu.memory_space<vmem>>, %arg10: memref<18xf32, #tpu.memory_space<smem>>, %arg11: memref<784x128xf32, #tpu.memory_space<vmem>>) attributes {dimension_semantics = [], scalar_prefetch = 0 : i64, scratch_operands = 0 : i64, tpu.core_type = #tpu.core_type<tc>} {
    %get3A = arith.constant 0 : index
    %get3A_0 = arith.constant 0 : index
    %get3A_1 = vector.load %arg3[%get3A, %get3A_0] : memref<784x128xf32, #tpu.memory_space<vmem>>, vector<784x128xf32>
    %get3A_2 = arith.constant 0 : index
    %get3A_3 = arith.constant 0 : index
    %get3A_4 = vector.load %arg0[%get3A_2, %get3A_3] : memref<784x128xf32, #tpu.memory_space<vmem>>, vector<784x128xf32>
    %get3A_5 = arith.constant 0 : index
    %get3A_6 = arith.constant 0 : index
    %get3A_7 = vector.load %arg1[%get3A_5, %get3A_6] : memref<784x128xf32, #tpu.memory_space<vmem>>, vector<784x128xf32>
    %get3A_8 = arith.constant 0 : index
    %get3A_9 = arith.constant 0 : index
    %get3A_10 = vector.load %arg4[%get3A_8, %get3A_9] : memref<784x128xf32, #tpu.memory_space<vmem>>, vector<784x128xf32>
    %get3A_11 = arith.constant 0 : index
    %get3A_12 = arith.constant 0 : index
    %get3A_13 = vector.load %arg5[%get3A_11, %get3A_12] : memref<784x128xf32, #tpu.memory_space<vmem>>, vector<784x128xf32>
    %mul3A = arith.constant -2.000000e+00 : f32
    %mul3A_14 = vector.broadcast %mul3A : f32 to vector<784x128xf32>
    %mul3A_15 = arith.mulf %mul3A_14, %get3A_1 : vector<784x128xf32>
    %get3A_16 = arith.constant 0 : index
    %get3A_17 = arith.constant 0 : index
    %get3A_18 = vector.load %arg6[%get3A_16, %get3A_17] : memref<784x128xf32, #tpu.memory_space<vmem>>, vector<784x128xf32>
    %get3A_19 = arith.constant 0 : index
    %get3A_20 = arith.constant 0 : index
    %get3A_21 = vector.load %arg8[%get3A_19, %get3A_20] : memref<784x128xf32, #tpu.memory_space<vmem>>, vector<784x128xf32>
    %add3A = arith.addf %get3A_18, %get3A_21 : vector<784x128xf32>
    %mul3A_22 = arith.mulf %mul3A_15, %add3A : vector<784x128xf32>
    %sub3A = arith.subf %mul3A_22, %get3A_4 : vector<784x128xf32>
    %mul3A_23 = arith.constant -2.000000e+00 : f32
    %mul3A_24 = vector.broadcast %mul3A_23 : f32 to vector<784x128xf32>
    %mul3A_25 = arith.mulf %mul3A_24, %get3A_1 : vector<784x128xf32>
    %get3A_26 = arith.constant 0 : index
    %get3A_27 = arith.constant 0 : index
    %get3A_28 = vector.load %arg7[%get3A_26, %get3A_27] : memref<784x128xf32, #tpu.memory_space<vmem>>, vector<784x128xf32>
    %get3A_29 = arith.constant 0 : index
    %get3A_30 = arith.constant 0 : index
    %get3A_31 = vector.load %arg9[%get3A_29, %get3A_30] : memref<784x128xf32, #tpu.memory_space<vmem>>, vector<784x128xf32>
    %add3A_32 = arith.addf %get3A_28, %get3A_31 : vector<784x128xf32>
    %mul3A_33 = arith.mulf %mul3A_25, %add3A_32 : vector<784x128xf32>
    %sub3A_34 = arith.subf %mul3A_33, %get3A_7 : vector<784x128xf32>
    %convert_element_type3A = arith.truncf %get3A_4 : vector<784x128xf32> to vector<784x128xbf16>
    %convert_element_type3A_35 = arith.extf %convert_element_type3A : vector<784x128xbf16> to vector<784x128xf32>
    %convert_element_type3A_36 = arith.truncf %get3A_7 : vector<784x128xf32> to vector<784x128xbf16>
    %convert_element_type3A_37 = arith.extf %convert_element_type3A_36 : vector<784x128xbf16> to vector<784x128xf32>
    %convert_element_type3A_38 = arith.truncf %get3A_10 : vector<784x128xf32> to vector<784x128xbf16>
    %convert_element_type3A_39 = arith.extf %convert_element_type3A_38 : vector<784x128xbf16> to vector<784x128xf32>
    %convert_element_type3A_40 = arith.truncf %get3A_13 : vector<784x128xf32> to vector<784x128xbf16>
    %convert_element_type3A_41 = arith.extf %convert_element_type3A_40 : vector<784x128xbf16> to vector<784x128xf32>
    %convert_element_type3A_42 = arith.truncf %sub3A : vector<784x128xf32> to vector<784x128xbf16>
    %convert_element_type3A_43 = arith.extf %convert_element_type3A_42 : vector<784x128xbf16> to vector<784x128xf32>
    %convert_element_type3A_44 = arith.truncf %sub3A_34 : vector<784x128xf32> to vector<784x128xbf16>
    %convert_element_type3A_45 = arith.extf %convert_element_type3A_44 : vector<784x128xbf16> to vector<784x128xf32>
    %get3A_46 = arith.constant 0 : index
    %get3A_47 = memref.load %arg10[%get3A_46] : memref<18xf32, #tpu.memory_space<smem>>
    %convert_element_type3A_48 = arith.truncf %get3A_47 : f32 to bf16
    %convert_element_type3A_49 = arith.extf %convert_element_type3A_48 : bf16 to f32
    %mul3A_50 = vector.broadcast %convert_element_type3A_49 : f32 to vector<784x128xf32>
    %mul3A_51 = arith.mulf %convert_element_type3A_35, %mul3A_50 : vector<784x128xf32>
    %get3A_52 = arith.constant 2 : index
    %get3A_53 = memref.load %arg10[%get3A_52] : memref<18xf32, #tpu.memory_space<smem>>
    %convert_element_type3A_54 = arith.truncf %get3A_53 : f32 to bf16
    %convert_element_type3A_55 = arith.extf %convert_element_type3A_54 : bf16 to f32
    %mul3A_56 = vector.broadcast %convert_element_type3A_55 : f32 to vector<784x128xf32>
    %mul3A_57 = arith.mulf %convert_element_type3A_37, %mul3A_56 : vector<784x128xf32>
    %add3A_58 = arith.addf %mul3A_51, %mul3A_57 : vector<784x128xf32>
    %get3A_59 = arith.constant 4 : index
    %get3A_60 = memref.load %arg10[%get3A_59] : memref<18xf32, #tpu.memory_space<smem>>
    %convert_element_type3A_61 = arith.truncf %get3A_60 : f32 to bf16
    %convert_element_type3A_62 = arith.extf %convert_element_type3A_61 : bf16 to f32
    %mul3A_63 = vector.broadcast %convert_element_type3A_62 : f32 to vector<784x128xf32>
    %mul3A_64 = arith.mulf %convert_element_type3A_39, %mul3A_63 : vector<784x128xf32>
    %get3A_65 = arith.constant 6 : index
    %get3A_66 = memref.load %arg10[%get3A_65] : memref<18xf32, #tpu.memory_space<smem>>
    %convert_element_type3A_67 = arith.truncf %get3A_66 : f32 to bf16
    %convert_element_type3A_68 = arith.extf %convert_element_type3A_67 : bf16 to f32
    %mul3A_69 = vector.broadcast %convert_element_type3A_68 : f32 to vector<784x128xf32>
    %mul3A_70 = arith.mulf %convert_element_type3A_41, %mul3A_69 : vector<784x128xf32>
    %add3A_71 = arith.addf %mul3A_64, %mul3A_70 : vector<784x128xf32>
    %add3A_72 = arith.addf %add3A_58, %add3A_71 : vector<784x128xf32>
    %get3A_73 = arith.constant 8 : index
    %get3A_74 = memref.load %arg10[%get3A_73] : memref<18xf32, #tpu.memory_space<smem>>
    %convert_element_type3A_75 = arith.truncf %get3A_74 : f32 to bf16
    %convert_element_type3A_76 = arith.extf %convert_element_type3A_75 : bf16 to f32
    %mul3A_77 = vector.broadcast %convert_element_type3A_76 : f32 to vector<784x128xf32>
    %mul3A_78 = arith.mulf %convert_element_type3A_43, %mul3A_77 : vector<784x128xf32>
    %get3A_79 = arith.constant 10 : index
    %get3A_80 = memref.load %arg10[%get3A_79] : memref<18xf32, #tpu.memory_space<smem>>
    %convert_element_type3A_81 = arith.truncf %get3A_80 : f32 to bf16
    %convert_element_type3A_82 = arith.extf %convert_element_type3A_81 : bf16 to f32
    %mul3A_83 = vector.broadcast %convert_element_type3A_82 : f32 to vector<784x128xf32>
    %mul3A_84 = arith.mulf %convert_element_type3A_45, %mul3A_83 : vector<784x128xf32>
    %add3A_85 = arith.addf %mul3A_78, %mul3A_84 : vector<784x128xf32>
    %add3A_86 = arith.addf %add3A_72, %add3A_85 : vector<784x128xf32>
    %get3A_87 = arith.constant 12 : index
    %get3A_88 = memref.load %arg10[%get3A_87] : memref<18xf32, #tpu.memory_space<smem>>
    %add3A_89 = vector.broadcast %get3A_88 : f32 to vector<784x128xf32>
    %add3A_90 = arith.addf %add3A_86, %add3A_89 : vector<784x128xf32>
    %get3A_91 = arith.constant 1 : index
    %get3A_92 = memref.load %arg10[%get3A_91] : memref<18xf32, #tpu.memory_space<smem>>
    %convert_element_type3A_93 = arith.truncf %get3A_92 : f32 to bf16
    %convert_element_type3A_94 = arith.extf %convert_element_type3A_93 : bf16 to f32
    %mul3A_95 = vector.broadcast %convert_element_type3A_94 : f32 to vector<784x128xf32>
    %mul3A_96 = arith.mulf %convert_element_type3A_35, %mul3A_95 : vector<784x128xf32>
    %get3A_97 = arith.constant 3 : index
    %get3A_98 = memref.load %arg10[%get3A_97] : memref<18xf32, #tpu.memory_space<smem>>
    %convert_element_type3A_99 = arith.truncf %get3A_98 : f32 to bf16
    %convert_element_type3A_100 = arith.extf %convert_element_type3A_99 : bf16 to f32
    %mul3A_101 = vector.broadcast %convert_element_type3A_100 : f32 to vector<784x128xf32>
    %mul3A_102 = arith.mulf %convert_element_type3A_37, %mul3A_101 : vector<784x128xf32>
    %add3A_103 = arith.addf %mul3A_96, %mul3A_102 : vector<784x128xf32>
    %get3A_104 = arith.constant 5 : index
    %get3A_105 = memref.load %arg10[%get3A_104] : memref<18xf32, #tpu.memory_space<smem>>
    %convert_element_type3A_106 = arith.truncf %get3A_105 : f32 to bf16
    %convert_element_type3A_107 = arith.extf %convert_element_type3A_106 : bf16 to f32
    %mul3A_108 = vector.broadcast %convert_element_type3A_107 : f32 to vector<784x128xf32>
    %mul3A_109 = arith.mulf %convert_element_type3A_39, %mul3A_108 : vector<784x128xf32>
    %get3A_110 = arith.constant 7 : index
    %get3A_111 = memref.load %arg10[%get3A_110] : memref<18xf32, #tpu.memory_space<smem>>
    %convert_element_type3A_112 = arith.truncf %get3A_111 : f32 to bf16
    %convert_element_type3A_113 = arith.extf %convert_element_type3A_112 : bf16 to f32
    %mul3A_114 = vector.broadcast %convert_element_type3A_113 : f32 to vector<784x128xf32>
    %mul3A_115 = arith.mulf %convert_element_type3A_41, %mul3A_114 : vector<784x128xf32>
    %add3A_116 = arith.addf %mul3A_109, %mul3A_115 : vector<784x128xf32>
    %add3A_117 = arith.addf %add3A_103, %add3A_116 : vector<784x128xf32>
    %get3A_118 = arith.constant 9 : index
    %get3A_119 = memref.load %arg10[%get3A_118] : memref<18xf32, #tpu.memory_space<smem>>
    %convert_element_type3A_120 = arith.truncf %get3A_119 : f32 to bf16
    %convert_element_type3A_121 = arith.extf %convert_element_type3A_120 : bf16 to f32
    %mul3A_122 = vector.broadcast %convert_element_type3A_121 : f32 to vector<784x128xf32>
    %mul3A_123 = arith.mulf %convert_element_type3A_43, %mul3A_122 : vector<784x128xf32>
    %get3A_124 = arith.constant 11 : index
    %get3A_125 = memref.load %arg10[%get3A_124] : memref<18xf32, #tpu.memory_space<smem>>
    %convert_element_type3A_126 = arith.truncf %get3A_125 : f32 to bf16
    %convert_element_type3A_127 = arith.extf %convert_element_type3A_126 : bf16 to f32
    %mul3A_128 = vector.broadcast %convert_element_type3A_127 : f32 to vector<784x128xf32>
    %mul3A_129 = arith.mulf %convert_element_type3A_45, %mul3A_128 : vector<784x128xf32>
    %add3A_130 = arith.addf %mul3A_123, %mul3A_129 : vector<784x128xf32>
    %add3A_131 = arith.addf %add3A_117, %add3A_130 : vector<784x128xf32>
    %get3A_132 = arith.constant 13 : index
    %get3A_133 = memref.load %arg10[%get3A_132] : memref<18xf32, #tpu.memory_space<smem>>
    %add3A_134 = vector.broadcast %get3A_133 : f32 to vector<784x128xf32>
    %add3A_135 = arith.addf %add3A_131, %add3A_134 : vector<784x128xf32>
    %max3A = arith.constant 0.000000e+00 : f32
    %max3A_136 = vector.broadcast %max3A : f32 to vector<784x128xf32>
    %max3A_137 = arith.maximumf %add3A_90, %max3A_136 : vector<784x128xf32>
    %max3A_138 = arith.constant 0.000000e+00 : f32
    %max3A_139 = vector.broadcast %max3A_138 : f32 to vector<784x128xf32>
    %max3A_140 = arith.maximumf %add3A_135, %max3A_139 : vector<784x128xf32>
    %get3A_141 = arith.constant 0 : index
    %get3A_142 = arith.constant 0 : index
    %get3A_143 = vector.load %arg2[%get3A_141, %get3A_142] : memref<784x128xf32, #tpu.memory_space<vmem>>, vector<784x128xf32>
    %convert_element_type3A_144 = arith.truncf %get3A_143 : vector<784x128xf32> to vector<784x128xbf16>
    %convert_element_type3A_145 = arith.extf %convert_element_type3A_144 : vector<784x128xbf16> to vector<784x128xf32>
    %get3A_146 = arith.constant 14 : index
    %get3A_147 = memref.load %arg10[%get3A_146] : memref<18xf32, #tpu.memory_space<smem>>
    %convert_element_type3A_148 = arith.truncf %get3A_147 : f32 to bf16
    %convert_element_type3A_149 = arith.extf %convert_element_type3A_148 : bf16 to f32
    %mul3A_150 = vector.broadcast %convert_element_type3A_149 : f32 to vector<784x128xf32>
    %mul3A_151 = arith.mulf %convert_element_type3A_145, %mul3A_150 : vector<784x128xf32>
    %convert_element_type3A_152 = arith.truncf %max3A_137 : vector<784x128xf32> to vector<784x128xbf16>
    %convert_element_type3A_153 = arith.extf %convert_element_type3A_152 : vector<784x128xbf16> to vector<784x128xf32>
    %get3A_154 = arith.constant 15 : index
    %get3A_155 = memref.load %arg10[%get3A_154] : memref<18xf32, #tpu.memory_space<smem>>
    %convert_element_type3A_156 = arith.truncf %get3A_155 : f32 to bf16
    %convert_element_type3A_157 = arith.extf %convert_element_type3A_156 : bf16 to f32
    %mul3A_158 = vector.broadcast %convert_element_type3A_157 : f32 to vector<784x128xf32>
    %mul3A_159 = arith.mulf %convert_element_type3A_153, %mul3A_158 : vector<784x128xf32>
    %add3A_160 = arith.addf %mul3A_151, %mul3A_159 : vector<784x128xf32>
    %convert_element_type3A_161 = arith.truncf %max3A_140 : vector<784x128xf32> to vector<784x128xbf16>
    %convert_element_type3A_162 = arith.extf %convert_element_type3A_161 : vector<784x128xbf16> to vector<784x128xf32>
    %get3A_163 = arith.constant 16 : index
    %get3A_164 = memref.load %arg10[%get3A_163] : memref<18xf32, #tpu.memory_space<smem>>
    %convert_element_type3A_165 = arith.truncf %get3A_164 : f32 to bf16
    %convert_element_type3A_166 = arith.extf %convert_element_type3A_165 : bf16 to f32
    %mul3A_167 = vector.broadcast %convert_element_type3A_166 : f32 to vector<784x128xf32>
    %mul3A_168 = arith.mulf %convert_element_type3A_162, %mul3A_167 : vector<784x128xf32>
    %add3A_169 = arith.addf %add3A_160, %mul3A_168 : vector<784x128xf32>
    %get3A_170 = arith.constant 17 : index
    %get3A_171 = memref.load %arg10[%get3A_170] : memref<18xf32, #tpu.memory_space<smem>>
    %add3A_172 = vector.broadcast %get3A_171 : f32 to vector<784x128xf32>
    %add3A_173 = arith.addf %add3A_169, %add3A_172 : vector<784x128xf32>
    %iota3A = tpu.iota {dimensions = array<i32: 0>} : vector<784x128xi32>
    %iota3A_174 = tpu.iota {dimensions = array<i32: 1>} : vector<784x128xi32>
    %mul3A_175 = arith.constant 128 : i32
    %mul3A_176 = vector.broadcast %mul3A_175 : i32 to vector<784x128xi32>
    %mul3A_177 = arith.muli %iota3A, %mul3A_176 : vector<784x128xi32>
    %add3A_178 = arith.addi %mul3A_177, %iota3A_174 : vector<784x128xi32>
    %lt3A = arith.constant 100000 : i32
    %lt3A_179 = vector.broadcast %lt3A : i32 to vector<784x128xi32>
    %lt3A_180 = arith.cmpi slt, %add3A_178, %lt3A_179 : vector<784x128xi32>
    %jit3A = arith.constant 0xFF800000 : f32
    %broadcast_in_dim3A = vector.broadcast %jit3A : f32 to vector<784x128xf32>
    %select_n3A = arith.select %lt3A_180, %add3A_173, %broadcast_in_dim3A : vector<784x128xi1>, vector<784x128xf32>
    %reduce_max3A = vector.shape_cast %select_n3A : vector<784x128xf32> to vector<1x784x128xf32>
    %reduce_max3A_181 = arith.constant dense<0xFF800000> : vector<1xf32>
    %reduce_max3A_182 = vector.multi_reduction <maximumf>, %reduce_max3A, %reduce_max3A_181 [1, 2] : vector<1x784x128xf32> to vector<1xf32>
    %reduce_max3A_183 = vector.shape_cast %reduce_max3A_182 : vector<1xf32> to vector<1x1x1xf32>
    %reduce_max3A_184 = vector.extract %reduce_max3A_183[0, 0, 0] : f32 from vector<1x1x1xf32>
    %sub3A_185 = vector.broadcast %reduce_max3A_184 : f32 to vector<784x128xf32>
    %sub3A_186 = arith.subf %add3A_173, %sub3A_185 : vector<784x128xf32>
    %exp3A = math.exp %sub3A_186 : vector<784x128xf32>
    %jit3A_187 = arith.constant 0.000000e+00 : f32
    %broadcast_in_dim3A_188 = vector.broadcast %jit3A_187 : f32 to vector<784x128xf32>
    %select_n3A_189 = arith.select %lt3A_180, %exp3A, %broadcast_in_dim3A_188 : vector<784x128xi1>, vector<784x128xf32>
    %reduce_sum3A = vector.shape_cast %select_n3A_189 : vector<784x128xf32> to vector<1x784x128xf32>
    %reduce_sum3A_190 = arith.constant dense<0.000000e+00> : vector<1xf32>
    %reduce_sum3A_191 = vector.multi_reduction <add>, %reduce_sum3A, %reduce_sum3A_190 [1, 2] : vector<1x784x128xf32> to vector<1xf32>
    %reduce_sum3A_192 = vector.shape_cast %reduce_sum3A_191 : vector<1xf32> to vector<1x1x1xf32>
    %reduce_sum3A_193 = vector.extract %reduce_sum3A_192[0, 0, 0] : f32 from vector<1x1x1xf32>
    %div3A = vector.broadcast %reduce_sum3A_193 : f32 to vector<784x128xf32>
    %div3A_194 = arith.divf %select_n3A_189, %div3A : vector<784x128xf32>
    %swap3A = arith.constant 0 : index
    %swap3A_195 = arith.constant 0 : index
    %swap3A_196 = vector.load %arg11[%swap3A, %swap3A_195] : memref<784x128xf32, #tpu.memory_space<vmem>>, vector<784x128xf32>
    tpu.vector_store %arg11[%swap3A, %swap3A_195], %div3A_194 {strides = array<i32>} : memref<784x128xf32, #tpu.memory_space<vmem>>, vector<784x128xf32>,
    return
  }
}

</mosaic_0001>

<sc_bundles>
// kernel: kernel.11.cloned.1.call-start
scs
__scs_entry_jumppad:
0x0: {  	(pc) =	sbr.rel $0x88, $3  }
0x1: {  	(tag) =	ssettag $0x0;
	lr =	simm.s32 $0x1  }
0x2: {  	[smem:$0x3F9A] =	sst lr;
	_ =	strace $0xD0000000  }
0x3: {  	_ = 	snop  }
0x4: {  	_ = 	snop  }
0x5: {  	_ = 	snop  }
0x6: {  	_ = 	snop  }
0x7: {  	_ = 	snop  }
__scs_overlays_trampoline_lowered:
0x8: {  	[smem:$0x3FA9] =	sst s0  }
0x9: {  	[smem:$0x3FAA] =	sst s1  }
0xa: {  	[smem:$0x3FAB] =	sst s2  }
0xb: {  	[smem:$0x3FAC] =	sst s3  }
0xc: {  	[smem:$0x3FAD] =	sst s4  }
0xd: {  	[smem:$0x3FAE] =	sst s5  }
0xe: {  	[smem:$0x3FAF] =	sst s6  }
0xf: {  	[smem:$0x3FB0] =	sst s7  }
0x10: {  	[smem:$0x3FB1] =	sst s8  }
0x11: {  	[smem:$0x3FB2] =	sst s9;
	s0 =	simm.s32 @!p0 $0x0  }
0x12: {  	s1 =	sld [smem:$0x3F98];
	s0 =	simm.s32 @p0 $0x1  }
0x13: {  	[smem:$0x3FB3] =	sst s0;
	s0 =	simm.s32 @!p1 $0x0  }
0x14: {  	s2 =	sld [smem:$0x3F97];
	s0 =	simm.s32 @p1 $0x1  }
0x15: {  	[smem:$0x3FB4] =	sst s0;
	s0 =	simm.s32 @!p2 $0x0  }
0x16: {  	s3 =	sld [smem:$0x3FDB];
	s0 =	simm.s32 @p2 $0x1  }
0x17: {  	s4 =	simm.s32 $0x1BF5;
	[smem:$0x3FB6] =	sst s0  }
0x18: {  	s0 =	sld [smem:$0x3F99];
	_ =	swait.ge [sflag:s4], $0x0  }
0x19: {  	s7 =	sld [smem:$0x3F9A]  }
0x1a: {  	s8 =	sadd.s32 $0xFFFFE003, lr  }
0x1b: {  	s9 =	sadd.s32 $0xFFFFFEF7, lr;
	s5 =	simm.s32 $0xFFFFFFFF;
	p2 =	slt.u32 s8, $0xFFFFF086  }
0x1c: {  	p1 =	slt.u32 s9, $0xF7A;
	s5 =	simm.s32 @!p2 $0x0  }
0x1d: {  	s5 =	simm.s32 @p1 $0x1;
	p0 =	seq.s32 s7, s2  }
0x1e: {  	s7 =	smul.u32 @!p0 $0xF7A, s2;
	p2 =	seq.s32 @!p0 s5, $0x0  }
0x1f: {  	s9 =	smul.u32 $0xF7A, s1;
	s8 =	simm.s32 @!p0 $0x1BF5;
	p2 =	por !p2, p0  }
0x20: {  	[sflag:s8] =	ssyncset.s32 @!p0 $0xFFFFF086;
	s6 =	sadd.s32 @!p0 s3, s7;
	s7 =	simm.s32 @!p0 $0x108  }
0x21: {  	s3 =	sadd.s32 s3, s9;
	s6 =	sadd.s32 @!p0 $0x88, s6;
	s7 =	simm.s32 @p2 $0x1082  }
0x22: {  	[simem:s7], [sflag:s8] =	dma.local @!p0 [hbm:s6], $0xF7A  }
0x23: {  	s9 =	sor.u32 $0xD0000000, s2;
	s6 =	simm.s32 $0x108;
	_ =	swait.ge @!p0 [sflag:s8], $0x0  }
0x24: {  	s3 =	sadd.s32 $0x88, s3;
	s6 =	simm.s32 @!p1 $0x1082;
	[sflag:s4] =	ssyncset.s32 $0xFFFFF086  }
0x25: {  	[simem:s6], [sflag:s4] =	dma.local [hbm:s3], $0xF7A  }
0x26: {  	[smem:$0x3F9A] =	sst s1;
	(tag) =	ssettag s2;
	_ =	strace s9  }
0x27: {  	s1 =	sld [smem:$0x3FAA]  }
0x28: {  	s2 =	sld [smem:$0x3FAB]  }
0x29: {  	s4 =	sld [smem:$0x3FAD]  }
0x2a: {  	p0 =	seq.s32 s5, $0x0;
	s5 =	sld [smem:$0x3FAE]  }
0x2b: {  	s6 =	sld [smem:$0x3FAF]  }
0x2c: {  	s7 =	sld [smem:$0x3FB0]  }
0x2d: {  	s3 =	simm.s32 $0x108;
	s8 =	sld [smem:$0x3FB1]  }
0x2e: {  	s3 =	simm.s32 @!p0 $0x1082;
	s9 =	sld [smem:$0x3FB2]  }
0x2f: {  	lr =	sadd.s32 s0, s3;
	s0 =	sld [smem:$0x3FA9]  }
0x30: {  	s3 =	sld [smem:$0x3FAC]  }
0x31: {  	[smem:$0x3FB5] =	sst s10  }
0x32: {  	s10 =	sld [smem:$0x3FB3];
	_ =	sdelay $0x3  }
0x33: {  	p0 =	seq.s32 s10, $0x1;
	s10 =	sld [smem:$0x3FB5];
	_ =	sdelay $0x3  }
0x34: {  	[smem:$0x3FB5] =	sst s10  }
0x35: {  	s10 =	sld [smem:$0x3FB4];
	_ =	sdelay $0x3  }
0x36: {  	p1 =	seq.s32 s10, $0x1;
	s10 =	sld [smem:$0x3FB5];
	_ =	sdelay $0x3  }
0x37: {  	[smem:$0x3FB5] =	sst s10  }
0x38: {  	s10 =	sld [smem:$0x3FB6]  }
0x39: {  	_ = 	snop;
	(pc) =	sbr.ind lr, $3  }
0x3a: {  	_ = 	snop  }
0x3b: {  	_ = 	snop  }
0x3c: {  	p2 =	seq.s32 s10, $0x1;
	s10 =	sld [smem:$0x3FB5]  }
0x3d: {  	_ =	shalt  }
0x3e: {  	_ =	shalt  }
0x3f: {  	_ =	shalt  }
0x40: {  	_ =	shalt  }
0x41: {  	_ =	shalt  }
0x42: {  	_ =	shalt  }
0x43: {  	_ =	shalt  }
0x44: {  	_ =	shalt  }
0x45: {  	_ =	shalt  }
0x46: {  	_ =	shalt  }
0x47: {  	_ =	shalt  }
0x48: {  	_ =	shalt  }
0x49: {  	_ =	shalt  }
0x4a: {  	_ =	shalt  }
0x4b: {  	_ =	shalt  }
0x4c: {  	_ =	shalt  }
0x4d: {  	_ =	shalt  }
0x4e: {  	_ =	shalt  }
0x4f: {  	_ =	shalt  }
0x50: {  	_ =	shalt  }
0x51: {  	_ =	shalt  }
0x52: {  	_ =	shalt  }
0x53: {  	_ =	shalt  }
0x54: {  	_ =	shalt  }
0x55: {  	_ =	shalt  }
0x56: {  	_ =	shalt  }
0x57: {  	_ =	shalt  }
0x58: {  	_ =	shalt  }
0x59: {  	_ =	shalt  }
0x5a: {  	_ =	shalt  }
0x5b: {  	_ =	shalt  }
0x5c: {  	_ =	shalt  }
0x5d: {  	_ =	shalt  }
0x5e: {  	_ =	shalt  }
0x5f: {  	_ =	shalt  }
0x60: {  	_ =	shalt  }
0x61: {  	_ =	shalt  }
0x62: {  	_ =	shalt  }
0x63: {  	_ =	shalt  }
0x64: {  	_ =	shalt  }
0x65: {  	_ =	shalt  }
0x66: {  	_ =	shalt  }
0x67: {  	_ =	shalt  }
0x68: {  	_ =	shalt  }
0x69: {  	_ =	shalt  }
0x6a: {  	_ =	shalt  }
0x6b: {  	_ =	shalt  }
0x6c: {  	_ =	shalt  }
0x6d: {  	_ =	shalt  }
0x6e: {  	_ =	shalt  }
0x6f: {  	_ =	shalt  }
0x70: {  	_ =	shalt  }
0x71: {  	_ =	shalt  }
0x72: {  	_ =	shalt  }
0x73: {  	_ =	shalt  }
0x74: {  	_ =	shalt  }
0x75: {  	_ =	shalt  }
0x76: {  	_ =	shalt  }
0x77: {  	_ =	shalt  }
0x78: {  	_ =	shalt  }
0x79: {  	_ =	shalt  }
0x7a: {  	_ =	shalt  }
0x7b: {  	_ =	shalt  }
0x7c: {  	_ =	shalt  }
0x7d: {  	_ =	shalt  }
0x7e: {  	_ =	shalt  }
0x7f: {  	_ =	shalt  }
0x80: {  	_ =	shalt  }
0x81: {  	_ =	shalt  }
0x82: {  	_ =	shalt  }
0x83: {  	_ =	shalt  }
0x84: {  	_ =	shalt  }
0x85: {  	_ =	shalt  }
0x86: {  	_ =	shalt  }
0x87: {  	_ =	shalt  }
.Lfunc_end0:
.L_simem_size_0:
called_computation.1_lowered:
.L_overlay_start_0:
0x88: {  	s2 =	sld [smem:$0x3FD9]  }
0x89: {  	s3 =	sld [smem:$0x3FFE];
	_ =	sdelay $0x1  }
0x8a: {  	s1 =	srdreg.scid  }
0x8b: {  	s0 =	sand.u32 $0x1, s1  }
0x8c: {  	s17 =	sshll.u32 s0, $0xA;
	s2 =	sadd.s32 s3, s2  }
0x8d: {  	s2 =	sadd.s32 s2, s17  }
0x8e: {  	[smem:$0x3FC1] =	sst s2  }
0x8f: {  	_ = 	snop  }
0x90: {  	s2 =	sld [smem:$0x3FC7]  }
0x91: {  	s18 =	sld [smem:$0x3FD0];
	(tm) =	ssettm $0x1  }
0x92: {  	s4 =	sld [smem:$0x3FFB];
	_ =	sdelay $0x3  }
0x93: {  	_ =	strace s4  }
0x94: {  	s4 =	sld [smem:$0x3FFC];
	_ =	sdelay $0x3  }
0x95: {  	_ =	strace s4  }
0x96: {  	s4 =	sld [smem:$0x3FFD];
	_ =	sdelay $0x3  }
0x97: {  	_ =	strace s4  }
0x98: {  	_ =	strace $0x8FFFFFFF  }
0x99: {  	s19 =	sld [smem:$0x3FDB];
	_ =	sdelay $0x1  }
0x9a: {  	s5 =	simm.s32 $_scs_section_size  }
0x9b: {  	s6 =	simm.s32 $_size__tile_overlayer_lowered;
	s7 =	simm.s32 $_tile_overlayer_lowered  }
0x9c: {  	s22 =	simm.s32 $0x1BFF;
	s21 =	sshll.u32 s7, $0x1;
	s4 =	sadd.s32 s5, s19  }
0x9d: {  	s8 =	simm.s32 $0x0;
	s20 =	sshll.u32 s6, $0x1;
	s6 =	sadd.s32 s21, s4  }
0x9e: {  	[timem:s8], [sflag:s22] =	dma.local [hbm:s6], s20  }
0x9f: {  	_ =	swait.ge [sflag:s22], s20  }
0xa0: {  	s5 =	ssub.s32 $0x0, s20;
	[sflag:s22] =	ssyncset.done $0x0  }
0xa1: {  	[sflag:s22] =	ssyncadd.s32 s5;
	_ =	sdelay $0x1  }
0xa2: {  	s23 =	simm.s32 $0x1B8B  }
0xa3: {  	_ =	swait.ge [sflag:s23], $0x1  }
0xa4: {  	[sflag:s23] =	ssyncset.done $0x0  }
0xa5: {  	s25 =	simm.s32 $0x1B8E;
	s24 =	sld [smem:$0x3FFE];
	[sflag:s23] =	ssyncadd.s32 $0xFFFFFFFF  }
0xa6: {  	s26 =	simm.s32 $execute0_lowered;
	[smem:$0x3FD2] =	sst s25  }
0xa7: {  	s6 =	sshll.u32 s26, $0x1;
	_ =	strace $0x80000049;
	[dreg:$0x1] =	wrdreg $0xFFFFFFFF  }
0xa8: {  	s28 =	simm.s32 $_size_execute0_lowered;
	s4 =	sadd.s32 s4, s6;
	[dreg:$0x0] =	wrdreg $0x0  }
0xa9: {  	s6 =	sshll.u32 s28, $0x1;
	[dreg:$0x2] =	wrdreg s4  }
0xaa: {  	[dreg:$0x3] =	wrdreg s6  }
0xab: {  	[dreg:$0x4] =	wrdreg $0xC0  }
0xac: {  	_ =	task [dreg:s8], $0x5FFFF  }
0xad: {  	[dreg:$0x1] =	wrdreg $0xFFFFFFFF  }
0xae: {  	[dreg:$0x0] =	wrdreg $0x60  }
0xaf: {  	[dreg:$0x2] =	wrdreg s24  }
0xb0: {  	[dreg:$0x3] =	wrdreg s2  }
0xb1: {  	[dreg:$0x4] =	wrdreg s18  }
0xb2: {  	[dreg:$0x5] =	wrdreg $0x0  }
0xb3: {  	[dreg:$0x6] =	wrdreg $0x18800  }
0xb4: {  	[dreg:$0x7] =	wrdreg $0x31000  }
0xb5: {  	[dreg:$0x8] =	wrdreg $0x49800  }
0xb6: {  	[dreg:$0x9] =	wrdreg $0x9  }
0xb7: {  	_ =	task.clear_ibuf [dreg:s8], $0xAFFFF;
	_ =	strace $0x90000049  }
0xb8: {  	s29 =	simm.s32 $0x9;
	_ =	strace $0x8000004B  }
0xb9: {  	_ =	swait.ge [sflag:s29], $0x1  }
0xba: {  	[sflag:s29] =	ssyncadd.s32 $0xFFFFFFFF  }
0xbb: {  	_ =	strace $0x9000004B  }
0xbc: {  	_ =	sfence  }
0xbd: {  	s30 =	sld [smem:$0x0];
	_ =	sdelay $0x2  }
0xbe: {  	s31 =	sshll.u32 s1, $0xD;
	s1 =	sshrl.u32 s1, $0x2  }
0xbf: {  	s3 =	sand.u32 $0x4000, s31;
	s1 =	sadd.s32 s1, s30  }
0xc0: {  	s0 =	sor.u32 s3, s0;
	s1 =	sshll.u32 s1, $0x11  }
0xc1: {  	s0 =	sor.u32 s1, s0  }
0xc2: {  	s0 =	sadd.s32 $0x8F2B, s0  }
0xc3: {  	[sflag:s0] =	ssyncadd.remote.s32 $0x1  }
0xc4: {  	_ =	sfence.sel $0xFFFF  }
0xc5: {  	[dreg:$0x0] =	wrdreg $0xFFFFFFFF;
	(pc) =	sbr.abs _section_cstart, $3  }
0xc6: {  	[dreg:$0x1] =	wrdreg $0xFFFFFFFF  }
0xc7: {  	_ =	task.clear_ibuf [dreg:s8], $0x2FFFF;
	_ =	strace $0x9FFFFFFF  }
0xc8: {  	(tm) =	ssettm $0x7FFFFFFF  }
0xc9: {  	_ =	shalt  }
tec
execute0_lowered:
.L_overlay_start_1:
0x0: {  	(tag) =	ssettag $0x1  }
0x1: {  	s0 =	rddreg [dreg:$0x0]  }
0x2: {  	s1 =	rddreg [dreg:$0x1]  }
0x3: {  	s3 =	rddreg [dreg:$0x2]  }
0x4: {  	s2 =	rddreg [dreg:$0x3]  }
0x5: {  	s4 =	rddreg [dreg:$0x4]  }
0x6: {  	s5 =	rddreg [dreg:$0x5]  }
0x7: {  	s6 =	rddreg [dreg:$0x6];
	s18 =	stileid.u32  }
0x8: {  	s8 =	srdreg.scid;
	s7 =	simm.s32 $0x0;
	s28 =	simm.s32 $0x19C00  }
0x9: {  	s29 =	simm.s32 $0x20;
	s30 =	simm.s32 $0x10;
	s31 =	simm.s32 $0x0  }
0xa: {  	s10 =	smul.u32 $0x1880, s18;
	s11 =	sand.u32 $0x1, s8;
	[smem:$0x7FF] =	sst s7  }
0xb: {  	s13 =	smul.u32 $0x3100, s18;
	s8 =	sadd.s32 $0xC6000, s0;
	s9 =	sadd.s32 $0x2A00, s0  }
0xc: {  	s23 =	sshll.u32 s18, $0x6;
	s12 =	smul.u32 $0x31000, s11;
	_ =	strace $0x8000004A  }
0xd: {  	s20 =	ssub.s32 $0x2, s11;
	s11 =	sshll.u32 s11, $0x4;
	s14 =	sshrl.u32 s10, $0x3  }
0xe: {  	s16 =	sshrl.u32 s20, $0x1;
	s22 =	sor.u32 s18, s11;
	s17 =	sadd.s32 s10, s2  }
0xf: {  	s11 =	sor.u32 $0x1C01, s23;
	s24 =	sadd.s32 s10, s4;
	s23 =	simm.s32 $0x6200  }
0x10: {  	s15 =	sadd.s32 s14, s0;
	s12 =	sadd.s32 s13, s12;
	s21 =	ssub.s32 s20, s16  }
0x11: {  	s3 =	sadd.s32 s3, s14;
	s13 =	sadd.s32 s10, s5;
	s14 =	sadd.s32 s10, s6  }
0x12: {  	s19 =	sshrl.u32 s17, $0x3;
	s20 =	simm.s32 $0x1;
	s12 =	sshrl.u32 s12, $0x3  }
0x13: {  	[dreg:$0x8] =	wrdreg s3;
	s25 =	sadd.s32 $0x189600, s15;
	s15 =	smul.u32 $0x30D40, s22  }
0x14: {  	s18 =	smax.u32 s21, $0x1;
	s21 =	sshrl.u32 s24, $0x3;
	s0 =	sadd.s32 s12, s0  }
0x15: {  	s22 =	simm.s32 $0x14D80;
	[dreg:$0x9] =	wrdreg s25;
	s26 =	sadd.s32 $0x18C800, s0  }
0x16: {  	s24 =	simm.s32 $0xB080;
	s0 =	sadd.s32 $0x18C810, s0;
	[dreg:$0xa] =	wrdreg s26  }
0x17: {  	v0 =	vimm.f32 $0.0e+00;
	s25 =	simm.s32 $0xFF00;
	[dreg:$0xb] =	wrdreg s0;
	s26 =	simm.s32 $0x4E20  }
.LBB2_1:
0x18: {  	s0 =	rddreg [dreg:$0x8]  }
0x19: {  	[spmem:s19], [sflag:s11] =	dma.local [hbm:s0], $0x310  }
0x1a: {  	_ =	swait.ge [sflag:s20], $0x310  }
0x1b: {  	[sflag:s20] =	ssyncset.done $0x0  }
0x1c: {  	s17 =	rddreg [dreg:$0x9];
	[sflag:s20] =	ssyncadd.s32 $0xFFFFFCF0  }
0x1d: {  	[spmem:s21], [sflag:s11] =	dma.local [hbm:s17], $0x310  }
0x1e: {  	_ =	swait.ge [sflag:s20], $0x310  }
0x1f: {  	[sflag:s20] =	ssyncset.done $0x0  }
0x20: {  	s0 =	simm.s32 $0x14DA0;
	[sflag:s20] =	ssyncadd.s32 $0xFFFFFCF0  }
0x21: {  	[tilespmem:s0+$0xFFFFFFE0] =	vst v0  }
0x22: {  	[tilespmem:s0+$0x10] =	vst v0  }
0x23: {  	s3 =	simm.s32 $0x0;
	[tilespmem:s0+$0x0] =	vst v0  }
.LBB2_2:
0x24: {  	s3 =	sadd.s32 $0x4, s3  }
0x25: {  	[tilespmem:s0+$0xFFFFFFF0] =	vst v0;
	s0 =	sadd.s32 $0x40, s0;
	p0 =	slt.u32 s3, $0x4DC  }
.Ltmp0:
0x26: {  	[tilespmem:s0+$0xFFFFFFE0] =	vst v0;
	(pc) =	sbr.rel @p0 .LBB2_2-.Ltmp0, $3  }
0x27: {  	_ =	sdelay $0x1  }
0x28: {  	[tilespmem:s0+$0x10] =	vst v0  }
0x29: {  	[tilespmem:s0+$0x0] =	vst v0  }
0x2a: {  	[tilespmem:s0+$0xFFFFFFF0] =	vst v0  }
0x2b: {  	[tilespmem:$0x19B80] =	vst v0  }
0x2c: {  	[tilespmem:$0x19B90] =	vst v0  }
0x2d: {  	[spmem:s13] =	stream.linear.scatter [tilespmem:s22], [sflag:$0x1], $0x1880, $0x38;
	[tilespmem:$0x1EA80] =	vst v63  }
0x2e: {  	_ =	swait.ge [sflag:s20], $0x1880  }
0x2f: {  	[sflag:s20] =	ssyncset.done $0x0  }
0x30: {  	[sflag:s20] =	ssyncadd.s32 $0xFFFFE780  }
0x31: {  	[spmem:s14] =	stream.linear.scatter [tilespmem:s22], [sflag:$0x1], $0x1880, $0x38;
	[tilespmem:$0x1EA80] =	vst v63  }
0x32: {  	_ =	swait.ge [sflag:s20], $0x1880  }
0x33: {  	[sflag:s20] =	ssyncset.done $0x0  }
0x34: {  	[sflag:s20] =	ssyncadd.s32 $0xFFFFE780  }
0x35: {  	s0 =	simm.s32 $0x0;
	[bflag:$0x0] =	sbarrier.arrive $0xFFFF  }
.LBB2_4:
0x36: {  	s3 =	smul.u32 $0x4E20, s0;
	_ =	sdelay $0x1  }
0x37: {  	s3 =	sadd.s32 s15, s3  }
0x38: {  	s3 =	sshrl.u32 s3, $0x3  }
0x39: {  	s10 =	sadd.s32 s8, s3  }
0x3a: {  	[tilespmem:s23], [sflag:$0x1] =	stream.linear.gather [hbm4b:s10+s7], $0x4E20, $0x38;
	[tilespmem:$0x1EA80] =	vst v63  }
0x3b: {  	_ =	swait.ge [sflag:s20], $0x4E20  }
0x3c: {  	[sflag:s20] =	ssyncset.done $0x0  }
0x3d: {  	s17 =	sadd.s32 s9, s3;
	[sflag:s20] =	ssyncadd.s32 $0xFFFFB1E0  }
0x3e: {  	[tilespmem:s24], [sflag:$0x1] =	stream.linear.gather [hbm4b:s17+s7], $0x4E20, $0x38;
	[tilespmem:$0x1EA80] =	vst v63  }
0x3f: {  	_ =	swait.ge [sflag:s20], $0x4E20  }
0x40: {  	[sflag:s20] =	ssyncset.done $0x0  }
0x41: {  	s3 =	sadd.s32 s1, s3;
	[sflag:s20] =	ssyncadd.s32 $0xFFFFB1E0  }
0x42: {  	[tilespmem:s25], [sflag:$0x1] =	stream.linear.gather [hbm4b:s3+s7], $0x4E20, $0x38;
	[tilespmem:$0x1EA80] =	vst v63  }
0x43: {  	_ =	swait.ge [sflag:s20], $0x4E20  }
0x44: {  	[sflag:s20] =	ssyncset.done $0x0  }
0x45: {  	[sflag:s20] =	ssyncadd.s32 $0xFFFFB1E0  }
0x46: {  	[tilespmem:s22], [sflag:$0x1] =	stream.indirect.gather [spmem:s2], $0x1, s23, s26, $0xb8;
	[tilespmem:$0x1EA80] =	vst v63  }
0x47: {  	_ =	swait.ge [sflag:s20], $0x4E20  }
0x48: {  	[sflag:s20] =	ssyncset.done $0x0  }
0x49: {  	[sflag:s20] =	ssyncadd.s32 $0xFFFFB1E0  }
0x4a: {  	[tilespmem:s28], [sflag:$0x1] =	stream.indirect.gather [spmem:s4], $0x1, s23, s26, $0xb8;
	[tilespmem:$0x1EA80] =	vst v63  }
0x4b: {  	_ =	swait.ge [sflag:s20], $0x4E20  }
0x4c: {  	[sflag:s20] =	ssyncset.done $0x0  }
0x4d: {  	s12 =	simm.s32 $0xFF20;
	[sflag:s20] =	ssyncadd.s32 $0xFFFFB1E0  }
0x4e: {  	s3 =	simm.s32 $0x14DA0;
	v1 =	vld [tilespmem:s12+$0xFFFFFFE0]  }
0x4f: {  	v2 =	vld [tilespmem:s3+$0xFFFFFFE0];
	_ =	sdelay $0x4  }
0x50: {  	v2 =	vmul.f32 v2, v1;
	_ =	sdelay $0x1  }
0x51: {  	s10 =	simm.s32 $0x19C20;
	[tilespmem:s3+$0xFFFFFFE0] =	vst v2  }
0x52: {  	v2 =	vld [tilespmem:s10+$0xFFFFFFE0];
	_ =	sdelay $0x4  }
0x53: {  	v1 =	vmul.f32 v2, v1;
	_ =	sdelay $0x1  }
0x54: {  	[tilespmem:s10+$0xFFFFFFE0] =	vst v1  }
0x55: {  	v1 =	vld [tilespmem:s12+$0xFFFFFFF0]  }
0x56: {  	v2 =	vld [tilespmem:s3+$0xFFFFFFF0];
	_ =	sdelay $0x4  }
0x57: {  	v2 =	vmul.f32 v2, v1;
	_ =	sdelay $0x1  }
0x58: {  	[tilespmem:s3+$0xFFFFFFF0] =	vst v2  }
0x59: {  	v2 =	vld [tilespmem:s10+$0xFFFFFFF0];
	_ =	sdelay $0x4  }
0x5a: {  	v1 =	vmul.f32 v2, v1;
	_ =	sdelay $0x1  }
0x5b: {  	[tilespmem:s10+$0xFFFFFFF0] =	vst v1  }
0x5c: {  	v1 =	vld [tilespmem:s12+$0x0]  }
0x5d: {  	v2 =	vld [tilespmem:s3+$0x0];
	_ =	sdelay $0x4  }
0x5e: {  	v2 =	vmul.f32 v2, v1;
	_ =	sdelay $0x1  }
0x5f: {  	[tilespmem:s3+$0x0] =	vst v2  }
0x60: {  	v2 =	vld [tilespmem:s10+$0x0];
	_ =	sdelay $0x4  }
0x61: {  	v1 =	vmul.f32 v2, v1;
	_ =	sdelay $0x1  }
0x62: {  	[tilespmem:s10+$0x0] =	vst v1  }
0x63: {  	v1 =	vld [tilespmem:s12+$0x10]  }
0x64: {  	v2 =	vld [tilespmem:s3+$0x10];
	_ =	sdelay $0x4  }
0x65: {  	v2 =	vmul.f32 v2, v1;
	_ =	sdelay $0x1  }
0x66: {  	[tilespmem:s3+$0x10] =	vst v2  }
0x67: {  	v2 =	vld [tilespmem:s10+$0x10];
	_ =	sdelay $0x2  }
0x68: {  	s16 =	simm.s32 $0x19C20;
	s17 =	simm.s32 $0xFF60;
	s12 =	simm.s32 $0x0  }
.LBB2_5:
0x69: {  	s12 =	sadd.s32 $0x4, s12;
	s10 =	sadd.s32 $0x40, s10;
	s3 =	sadd.s32 $0x40, s3  }
0x6a: {  	p0 =	slt.u32 s12, $0x4DC;
	v1 =	vmul.f32 v2, v1;
	_ =	sdelay $0x1  }
0x6b: {  	[tilespmem:s16+$0x10] =	vst v1;
	s16 =	smov.u32 s10  }
0x6c: {  	v1 =	vld [tilespmem:s17+$0xFFFFFFE0]  }
0x6d: {  	v2 =	vld [tilespmem:s3+$0xFFFFFFE0];
	_ =	sdelay $0x4  }
0x6e: {  	v2 =	vmul.f32 v2, v1;
	_ =	sdelay $0x1  }
0x6f: {  	[tilespmem:s3+$0xFFFFFFE0] =	vst v2  }
0x70: {  	v2 =	vld [tilespmem:s10+$0xFFFFFFE0];
	_ =	sdelay $0x4  }
0x71: {  	v1 =	vmul.f32 v2, v1;
	_ =	sdelay $0x1  }
0x72: {  	[tilespmem:s10+$0xFFFFFFE0] =	vst v1  }
0x73: {  	v1 =	vld [tilespmem:s17+$0xFFFFFFF0]  }
0x74: {  	v2 =	vld [tilespmem:s3+$0xFFFFFFF0];
	_ =	sdelay $0x4  }
0x75: {  	v2 =	vmul.f32 v2, v1;
	_ =	sdelay $0x1  }
0x76: {  	[tilespmem:s3+$0xFFFFFFF0] =	vst v2  }
0x77: {  	v2 =	vld [tilespmem:s10+$0xFFFFFFF0];
	_ =	sdelay $0x4  }
0x78: {  	v1 =	vmul.f32 v2, v1;
	_ =	sdelay $0x1  }
0x79: {  	[tilespmem:s10+$0xFFFFFFF0] =	vst v1  }
0x7a: {  	v1 =	vld [tilespmem:s17+$0x0]  }
0x7b: {  	v2 =	vld [tilespmem:s3+$0x0];
	_ =	sdelay $0x4  }
0x7c: {  	v2 =	vmul.f32 v2, v1;
	_ =	sdelay $0x1  }
0x7d: {  	[tilespmem:s3+$0x0] =	vst v2  }
0x7e: {  	v2 =	vld [tilespmem:s10+$0x0];
	_ =	sdelay $0x4  }
0x7f: {  	v1 =	vmul.f32 v2, v1;
	_ =	sdelay $0x1  }
0x80: {  	[tilespmem:s10+$0x0] =	vst v1  }
0x81: {  	v1 =	vld [tilespmem:s17+$0x10]  }
0x82: {  	v2 =	vld [tilespmem:s3+$0x10];
	_ =	sdelay $0x4  }
0x83: {  	v2 =	vmul.f32 v2, v1;
	_ =	sdelay $0x1  }
.Ltmp1:
0x84: {  	[tilespmem:s3+$0x10] =	vst v2;
	(pc) =	sbr.rel @p0 .LBB2_5-.Ltmp1, $2  }
0x85: {  	v2 =	vld [tilespmem:s10+$0x10];
	_ =	sdelay $0x2  }
0x86: {  	s17 =	sadd.s32 $0x40, s17  }
0x87: {  	_ = 	snop  }
0x88: {  	v1 =	vmul.f32 v2, v1;
	_ =	sdelay $0x1  }
0x89: {  	[tilespmem:s16+$0x10] =	vst v1  }
0x8a: {  	v1 =	vld [tilespmem:$0x14D00]  }
0x8b: {  	v2 =	vld [tilespmem:$0x19B80]  }
0x8c: {  	v3 =	vld [tilespmem:$0x1EA00]  }
0x8d: {  	v4 =	vld [tilespmem:$0x14D10]  }
0x8e: {  	v5 =	vld [tilespmem:$0x19B90]  }
0x8f: {  	v6 =	vld [tilespmem:$0x1EA10];
	_ =	sdelay $0x1  }
0x90: {  	v2 =	vmul.f32 v2, v1  }
0x91: {  	v1 =	vmul.f32 v3, v1  }
0x92: {  	[tilespmem:$0x19B80] =	vst v2;
	v2 =	vmul.f32 v5, v4  }
0x93: {  	[tilespmem:$0x1EA00] =	vst v1;
	v1 =	vmul.f32 v6, v4  }
0x94: {  	[tilespmem:$0x19B90] =	vst v2  }
0x95: {  	[tilespmem:$0x1EA10] =	vst v1  }
0x96: {  	[spmem:s5] =	stream.indirect.scatter.add.f32 [tilespmem:s22], [sflag:$0x1], $0x1, s24, s26, $0xb8;
	[tilespmem:$0x1EA80] =	vst v63  }
0x97: {  	s0 =	sadd.s32 $0x1, s0;
	_ =	swait.ge [sflag:s20], $0x4E20  }
0x98: {  	p0 =	sne.s32 s0, $0xA;
	[sflag:s20] =	ssyncset.done $0x0  }
.Ltmp2:
0x99: {  	[sflag:s20] =	ssyncadd.s32 $0xFFFFB1E0;
	(pc) =	sbr.rel @p0 .LBB2_4-.Ltmp2, $4  }
0x9a: {  	[spmem:s6] =	stream.indirect.scatter.add.f32 [tilespmem:s28], [sflag:$0x1], $0x1, s24, s26, $0xb8;
	[tilespmem:$0x1EA80] =	vst v63  }
0x9b: {  	_ =	swait.ge [sflag:s20], $0x4E20  }
0x9c: {  	[sflag:s20] =	ssyncset.done $0x0  }
0x9d: {  	[sflag:s20] =	ssyncadd.s32 $0xFFFFB1E0  }
0x9e: {  	[bflag:$0x0] =	sbarrier.arrive $0xFFFF  }
0x9f: {  	s0 =	sshrl.u32 s13, $0x3;
	s3 =	rddreg [dreg:$0xa]  }
0xa0: {  	[hbm:s3@s29], [sflag:s11] =	dma.strided [spmem:s0@s30], $0x310, s20, $0x10   }
0xa1: {  	s31 =	sadd.s32 $0x1, s31;
	_ =	swait.ge [sflag:s20], $0x310  }
0xa2: {  	s16 =	sshrl.u32 s14, $0x3;
	p0 =	sne.s32 s31, s18;
	[sflag:s20] =	ssyncset.done $0x0  }
.Ltmp3:
0xa3: {  	s17 =	rddreg [dreg:$0xb];
	[sflag:s20] =	ssyncadd.s32 $0xFFFFFCF0;
	(pc) =	sbr.rel @p0 .LBB2_1-.Ltmp3, $4  }
0xa4: {  	[hbm:s17@s29], [sflag:s11] =	dma.strided [spmem:s16@s30], $0x310, s20, $0x10   }
0xa5: {  	_ =	swait.ge [sflag:s20], $0x310  }
0xa6: {  	[sflag:s20] =	ssyncset.done $0x0  }
0xa7: {  	[sflag:s20] =	ssyncadd.s32 $0xFFFFFCF0  }
0xa8: {  	_ =	sfence.sel $0x180000  }
0xa9: {  	[bflag:$0x0] =	sbarrier.arrive $0xFFFF  }
0xaa: {  	_ =	strace $0x9000004A  }
0xab: {  	s0 =	stileid.u32;
	[bflag:$0x2] =	sbarrier.arrive $0xFFFF  }
0xac: {  	p0 =	sne.s32 s0, $0x0;
	s0 =	rddreg [dreg:$0x7]  }
0xad: {  	s0 =	sadd.s32 @!p0 $0x100000, s0  }
0xae: {  	[sflag:s0] =	ssyncadd.tile.s32 @!p0 $0x1;
	_ =	shalt  }
.Lfunc_end2:
_tile_overlayer_lowered:
.L_overlay_start_2:
0xaf: {  	(tag) =	ssettag $0x2  }
0xb0: {  	s0 =	rddreg [dreg:$0x0];
	s2 =	stileid.u32  }
0xb1: {  	s1 =	rddreg [dreg:$0x1];
	p0 =	sne.s32 s2, $0x0  }
0xb2: {  	s3 =	rddreg [dreg:$0x2];
	[bflag:$0x3] =	sbarrier.arrive $0xFFFF;
	s2 =	simm.s32 @!p0 $0x1C01  }
0xb3: {  	[timem:s3], [sflag:s2] =	dma.local @!p0 [hbm:s0], s1  }
0xb4: {  	s0 =	simm.s32 @!p0 $0x1  }
0xb5: {  	_ =	swait.ge @!p0 [sflag:s0], s1  }
0xb6: {  	s1 =	ssub.s32 @!p0 $0x0, s1;
	[sflag:s0] =	ssyncset.done @!p0 $0x0  }
0xb7: {  	[sflag:s0] =	ssyncadd.s32 @!p0 s1  }
0xb8: {  	[bflag:$0x3] =	sbarrier.arrive $0xFFFF  }
0xb9: {  	_ =	shalt  }

// kernel: kernel.14.cloned.1.call-start
scs
__scs_entry_jumppad:
0x0: {  	(pc) =	sbr.rel $0x88, $3  }
0x1: {  	(tag) =	ssettag $0x0;
	lr =	simm.s32 $0x1  }
0x2: {  	[smem:$0x3F9A] =	sst lr;
	_ =	strace $0xD0000000  }
0x3: {  	_ = 	snop  }
0x4: {  	_ = 	snop  }
0x5: {  	_ = 	snop  }
0x6: {  	_ = 	snop  }
0x7: {  	_ = 	snop  }
__scs_overlays_trampoline_lowered:
0x8: {  	[smem:$0x3FA9] =	sst s0  }
0x9: {  	[smem:$0x3FAA] =	sst s1  }
0xa: {  	[smem:$0x3FAB] =	sst s2  }
0xb: {  	[smem:$0x3FAC] =	sst s3  }
0xc: {  	[smem:$0x3FAD] =	sst s4  }
0xd: {  	[smem:$0x3FAE] =	sst s5  }
0xe: {  	[smem:$0x3FAF] =	sst s6  }
0xf: {  	[smem:$0x3FB0] =	sst s7  }
0x10: {  	[smem:$0x3FB1] =	sst s8  }
0x11: {  	[smem:$0x3FB2] =	sst s9;
	s0 =	simm.s32 @!p0 $0x0  }
0x12: {  	s1 =	sld [smem:$0x3F98];
	s0 =	simm.s32 @p0 $0x1  }
0x13: {  	[smem:$0x3FB3] =	sst s0;
	s0 =	simm.s32 @!p1 $0x0  }
0x14: {  	s2 =	sld [smem:$0x3F97];
	s0 =	simm.s32 @p1 $0x1  }
0x15: {  	[smem:$0x3FB4] =	sst s0;
	s0 =	simm.s32 @!p2 $0x0  }
0x16: {  	s3 =	sld [smem:$0x3FDB];
	s0 =	simm.s32 @p2 $0x1  }
0x17: {  	s4 =	simm.s32 $0x1BF5;
	[smem:$0x3FB6] =	sst s0  }
0x18: {  	s0 =	sld [smem:$0x3F99];
	_ =	swait.ge [sflag:s4], $0x0  }
0x19: {  	s7 =	sld [smem:$0x3F9A]  }
0x1a: {  	s8 =	sadd.s32 $0xFFFFE003, lr  }
0x1b: {  	s9 =	sadd.s32 $0xFFFFFEF7, lr;
	s5 =	simm.s32 $0xFFFFFFFF;
	p2 =	slt.u32 s8, $0xFFFFF086  }
0x1c: {  	p1 =	slt.u32 s9, $0xF7A;
	s5 =	simm.s32 @!p2 $0x0  }
0x1d: {  	s5 =	simm.s32 @p1 $0x1;
	p0 =	seq.s32 s7, s2  }
0x1e: {  	s7 =	smul.u32 @!p0 $0xF7A, s2;
	p2 =	seq.s32 @!p0 s5, $0x0  }
0x1f: {  	s9 =	smul.u32 $0xF7A, s1;
	s8 =	simm.s32 @!p0 $0x1BF5;
	p2 =	por !p2, p0  }
0x20: {  	[sflag:s8] =	ssyncset.s32 @!p0 $0xFFFFF086;
	s6 =	sadd.s32 @!p0 s3, s7;
	s7 =	simm.s32 @!p0 $0x108  }
0x21: {  	s3 =	sadd.s32 s3, s9;
	s6 =	sadd.s32 @!p0 $0x88, s6;
	s7 =	simm.s32 @p2 $0x1082  }
0x22: {  	[simem:s7], [sflag:s8] =	dma.local @!p0 [hbm:s6], $0xF7A  }
0x23: {  	s9 =	sor.u32 $0xD0000000, s2;
	s6 =	simm.s32 $0x108;
	_ =	swait.ge @!p0 [sflag:s8], $0x0  }
0x24: {  	s3 =	sadd.s32 $0x88, s3;
	s6 =	simm.s32 @!p1 $0x1082;
	[sflag:s4] =	ssyncset.s32 $0xFFFFF086  }
0x25: {  	[simem:s6], [sflag:s4] =	dma.local [hbm:s3], $0xF7A  }
0x26: {  	[smem:$0x3F9A] =	sst s1;
	(tag) =	ssettag s2;
	_ =	strace s9  }
0x27: {  	s1 =	sld [smem:$0x3FAA]  }
0x28: {  	s2 =	sld [smem:$0x3FAB]  }
0x29: {  	s4 =	sld [smem:$0x3FAD]  }
0x2a: {  	p0 =	seq.s32 s5, $0x0;
	s5 =	sld [smem:$0x3FAE]  }
0x2b: {  	s6 =	sld [smem:$0x3FAF]  }
0x2c: {  	s7 =	sld [smem:$0x3FB0]  }
0x2d: {  	s3 =	simm.s32 $0x108;
	s8 =	sld [smem:$0x3FB1]  }
0x2e: {  	s3 =	simm.s32 @!p0 $0x1082;
	s9 =	sld [smem:$0x3FB2]  }
0x2f: {  	lr =	sadd.s32 s0, s3;
	s0 =	sld [smem:$0x3FA9]  }
0x30: {  	s3 =	sld [smem:$0x3FAC]  }
0x31: {  	[smem:$0x3FB5] =	sst s10  }
0x32: {  	s10 =	sld [smem:$0x3FB3];
	_ =	sdelay $0x3  }
0x33: {  	p0 =	seq.s32 s10, $0x1;
	s10 =	sld [smem:$0x3FB5];
	_ =	sdelay $0x3  }
0x34: {  	[smem:$0x3FB5] =	sst s10  }
0x35: {  	s10 =	sld [smem:$0x3FB4];
	_ =	sdelay $0x3  }
0x36: {  	p1 =	seq.s32 s10, $0x1;
	s10 =	sld [smem:$0x3FB5];
	_ =	sdelay $0x3  }
0x37: {  	[smem:$0x3FB5] =	sst s10  }
0x38: {  	s10 =	sld [smem:$0x3FB6]  }
0x39: {  	_ = 	snop;
	(pc) =	sbr.ind lr, $3  }
0x3a: {  	_ = 	snop  }
0x3b: {  	_ = 	snop  }
0x3c: {  	p2 =	seq.s32 s10, $0x1;
	s10 =	sld [smem:$0x3FB5]  }
0x3d: {  	_ =	shalt  }
0x3e: {  	_ =	shalt  }
0x3f: {  	_ =	shalt  }
0x40: {  	_ =	shalt  }
0x41: {  	_ =	shalt  }
0x42: {  	_ =	shalt  }
0x43: {  	_ =	shalt  }
0x44: {  	_ =	shalt  }
0x45: {  	_ =	shalt  }
0x46: {  	_ =	shalt  }
0x47: {  	_ =	shalt  }
0x48: {  	_ =	shalt  }
0x49: {  	_ =	shalt  }
0x4a: {  	_ =	shalt  }
0x4b: {  	_ =	shalt  }
0x4c: {  	_ =	shalt  }
0x4d: {  	_ =	shalt  }
0x4e: {  	_ =	shalt  }
0x4f: {  	_ =	shalt  }
0x50: {  	_ =	shalt  }
0x51: {  	_ =	shalt  }
0x52: {  	_ =	shalt  }
0x53: {  	_ =	shalt  }
0x54: {  	_ =	shalt  }
0x55: {  	_ =	shalt  }
0x56: {  	_ =	shalt  }
0x57: {  	_ =	shalt  }
0x58: {  	_ =	shalt  }
0x59: {  	_ =	shalt  }
0x5a: {  	_ =	shalt  }
0x5b: {  	_ =	shalt  }
0x5c: {  	_ =	shalt  }
0x5d: {  	_ =	shalt  }
0x5e: {  	_ =	shalt  }
0x5f: {  	_ =	shalt  }
0x60: {  	_ =	shalt  }
0x61: {  	_ =	shalt  }
0x62: {  	_ =	shalt  }
0x63: {  	_ =	shalt  }
0x64: {  	_ =	shalt  }
0x65: {  	_ =	shalt  }
0x66: {  	_ =	shalt  }
0x67: {  	_ =	shalt  }
0x68: {  	_ =	shalt  }
0x69: {  	_ =	shalt  }
0x6a: {  	_ =	shalt  }
0x6b: {  	_ =	shalt  }
0x6c: {  	_ =	shalt  }
0x6d: {  	_ =	shalt  }
0x6e: {  	_ =	shalt  }
0x6f: {  	_ =	shalt  }
0x70: {  	_ =	shalt  }
0x71: {  	_ =	shalt  }
0x72: {  	_ =	shalt  }
0x73: {  	_ =	shalt  }
0x74: {  	_ =	shalt  }
0x75: {  	_ =	shalt  }
0x76: {  	_ =	shalt  }
0x77: {  	_ =	shalt  }
0x78: {  	_ =	shalt  }
0x79: {  	_ =	shalt  }
0x7a: {  	_ =	shalt  }
0x7b: {  	_ =	shalt  }
0x7c: {  	_ =	shalt  }
0x7d: {  	_ =	shalt  }
0x7e: {  	_ =	shalt  }
0x7f: {  	_ =	shalt  }
0x80: {  	_ =	shalt  }
0x81: {  	_ =	shalt  }
0x82: {  	_ =	shalt  }
0x83: {  	_ =	shalt  }
0x84: {  	_ =	shalt  }
0x85: {  	_ =	shalt  }
0x86: {  	_ =	shalt  }
0x87: {  	_ =	shalt  }
.Lfunc_end0:
.L_simem_size_0:
called_computation.2_lowered:
.L_overlay_start_0:
0x88: {  	s2 =	sld [smem:$0x3FD9]  }
0x89: {  	s3 =	sld [smem:$0x3FFE];
	_ =	sdelay $0x1  }
0x8a: {  	s1 =	srdreg.scid  }
0x8b: {  	s0 =	sand.u32 $0x1, s1  }
0x8c: {  	s17 =	sshll.u32 s0, $0xA;
	s2 =	sadd.s32 s3, s2  }
0x8d: {  	s2 =	sadd.s32 s2, s17  }
0x8e: {  	[smem:$0x3FC1] =	sst s2  }
0x8f: {  	_ = 	snop  }
0x90: {  	s2 =	sld [smem:$0x3FC7]  }
0x91: {  	s18 =	sld [smem:$0x3FD0];
	(tm) =	ssettm $0x1  }
0x92: {  	s4 =	sld [smem:$0x3FFB];
	_ =	sdelay $0x3  }
0x93: {  	_ =	strace s4  }
0x94: {  	s4 =	sld [smem:$0x3FFC];
	_ =	sdelay $0x3  }
0x95: {  	_ =	strace s4  }
0x96: {  	s4 =	sld [smem:$0x3FFD];
	_ =	sdelay $0x3  }
0x97: {  	_ =	strace s4  }
0x98: {  	_ =	strace $0x8FFFFFFF  }
0x99: {  	s19 =	sld [smem:$0x3FDB];
	_ =	sdelay $0x1  }
0x9a: {  	s5 =	simm.s32 $_scs_section_size  }
0x9b: {  	s6 =	simm.s32 $_size__tile_overlayer_lowered;
	s7 =	simm.s32 $_tile_overlayer_lowered  }
0x9c: {  	s22 =	simm.s32 $0x1BFF;
	s21 =	sshll.u32 s7, $0x1;
	s4 =	sadd.s32 s5, s19  }
0x9d: {  	s8 =	simm.s32 $0x0;
	s20 =	sshll.u32 s6, $0x1;
	s6 =	sadd.s32 s21, s4  }
0x9e: {  	[timem:s8], [sflag:s22] =	dma.local [hbm:s6], s20  }
0x9f: {  	_ =	swait.ge [sflag:s22], s20  }
0xa0: {  	s5 =	ssub.s32 $0x0, s20;
	[sflag:s22] =	ssyncset.done $0x0  }
0xa1: {  	[sflag:s22] =	ssyncadd.s32 s5;
	_ =	sdelay $0x1  }
0xa2: {  	s23 =	simm.s32 $0x1B8B  }
0xa3: {  	_ =	swait.ge [sflag:s23], $0x1  }
0xa4: {  	[sflag:s23] =	ssyncset.done $0x0  }
0xa5: {  	s25 =	simm.s32 $0x1B8E;
	s24 =	sld [smem:$0x3FFE];
	[sflag:s23] =	ssyncadd.s32 $0xFFFFFFFF  }
0xa6: {  	s26 =	simm.s32 $execute0_lowered;
	[smem:$0x3FD2] =	sst s25  }
0xa7: {  	s6 =	sshll.u32 s26, $0x1;
	_ =	strace $0x8000004C;
	[dreg:$0x1] =	wrdreg $0xFFFFFFFF  }
0xa8: {  	s28 =	simm.s32 $_size_execute0_lowered;
	s4 =	sadd.s32 s4, s6;
	[dreg:$0x0] =	wrdreg $0x0  }
0xa9: {  	s6 =	sshll.u32 s28, $0x1;
	[dreg:$0x2] =	wrdreg s4  }
0xaa: {  	[dreg:$0x3] =	wrdreg s6  }
0xab: {  	[dreg:$0x4] =	wrdreg $0xC0  }
0xac: {  	_ =	task [dreg:s8], $0x5FFFF  }
0xad: {  	[dreg:$0x1] =	wrdreg $0xFFFFFFFF  }
0xae: {  	[dreg:$0x0] =	wrdreg $0x60  }
0xaf: {  	[dreg:$0x2] =	wrdreg s24  }
0xb0: {  	[dreg:$0x3] =	wrdreg s2  }
0xb1: {  	[dreg:$0x4] =	wrdreg s18  }
0xb2: {  	[dreg:$0x5] =	wrdreg $0x0  }
0xb3: {  	[dreg:$0x6] =	wrdreg $0x18800  }
0xb4: {  	[dreg:$0x7] =	wrdreg $0x31000  }
0xb5: {  	[dreg:$0x8] =	wrdreg $0x49800  }
0xb6: {  	[dreg:$0x9] =	wrdreg $0x9  }
0xb7: {  	_ =	task.clear_ibuf [dreg:s8], $0xAFFFF;
	_ =	strace $0x9000004C  }
0xb8: {  	s29 =	simm.s32 $0x9;
	_ =	strace $0x8000004E  }
0xb9: {  	_ =	swait.ge [sflag:s29], $0x1  }
0xba: {  	[sflag:s29] =	ssyncadd.s32 $0xFFFFFFFF  }
0xbb: {  	_ =	strace $0x9000004E  }
0xbc: {  	_ =	sfence  }
0xbd: {  	s30 =	sld [smem:$0x0];
	_ =	sdelay $0x2  }
0xbe: {  	s31 =	sshll.u32 s1, $0xD;
	s1 =	sshrl.u32 s1, $0x2  }
0xbf: {  	s3 =	sand.u32 $0x4000, s31;
	s1 =	sadd.s32 s1, s30  }
0xc0: {  	s0 =	sor.u32 s3, s0;
	s1 =	sshll.u32 s1, $0x11  }
0xc1: {  	s0 =	sor.u32 s1, s0  }
0xc2: {  	s0 =	sadd.s32 $0x8F2B, s0  }
0xc3: {  	[sflag:s0] =	ssyncadd.remote.s32 $0x1  }
0xc4: {  	_ =	sfence.sel $0xFFFF  }
0xc5: {  	[dreg:$0x0] =	wrdreg $0xFFFFFFFF;
	(pc) =	sbr.abs _section_cstart, $3  }
0xc6: {  	[dreg:$0x1] =	wrdreg $0xFFFFFFFF  }
0xc7: {  	_ =	task.clear_ibuf [dreg:s8], $0x2FFFF;
	_ =	strace $0x9FFFFFFF  }
0xc8: {  	(tm) =	ssettm $0x7FFFFFFF  }
0xc9: {  	_ =	shalt  }
tec
execute0_lowered:
.L_overlay_start_1:
0x0: {  	(tag) =	ssettag $0x1  }
0x1: {  	s0 =	rddreg [dreg:$0x0]  }
0x2: {  	s1 =	rddreg [dreg:$0x1]  }
0x3: {  	s3 =	rddreg [dreg:$0x2]  }
0x4: {  	s2 =	rddreg [dreg:$0x3]  }
0x5: {  	s4 =	rddreg [dreg:$0x4]  }
0x6: {  	s5 =	rddreg [dreg:$0x5]  }
0x7: {  	s6 =	rddreg [dreg:$0x6];
	s18 =	stileid.u32  }
0x8: {  	s8 =	srdreg.scid;
	s7 =	simm.s32 $0x0;
	s28 =	simm.s32 $0x19C00  }
0x9: {  	s29 =	simm.s32 $0x20;
	s30 =	simm.s32 $0x10;
	s31 =	simm.s32 $0x0  }
0xa: {  	s10 =	smul.u32 $0x1880, s18;
	s11 =	sand.u32 $0x1, s8;
	[smem:$0x7FF] =	sst s7  }
0xb: {  	s13 =	smul.u32 $0x3100, s18;
	s8 =	sadd.s32 $0xC6000, s0;
	s9 =	sadd.s32 $0x2A00, s0  }
0xc: {  	s23 =	sshll.u32 s18, $0x6;
	s12 =	smul.u32 $0x31000, s11;
	_ =	strace $0x8000004D  }
0xd: {  	s20 =	ssub.s32 $0x2, s11;
	s11 =	sshll.u32 s11, $0x4;
	s14 =	sshrl.u32 s10, $0x3  }
0xe: {  	s16 =	sshrl.u32 s20, $0x1;
	s22 =	sor.u32 s18, s11;
	s17 =	sadd.s32 s10, s2  }
0xf: {  	s11 =	sor.u32 $0x1C01, s23;
	s24 =	sadd.s32 s10, s4;
	s23 =	simm.s32 $0x6200  }
0x10: {  	s15 =	sadd.s32 s14, s0;
	s12 =	sadd.s32 s13, s12;
	s21 =	ssub.s32 s20, s16  }
0x11: {  	s3 =	sadd.s32 s3, s14;
	s13 =	sadd.s32 s10, s5;
	s14 =	sadd.s32 s10, s6  }
0x12: {  	s19 =	sshrl.u32 s17, $0x3;
	s20 =	simm.s32 $0x1;
	s12 =	sshrl.u32 s12, $0x3  }
0x13: {  	[dreg:$0x8] =	wrdreg s3;
	s25 =	sadd.s32 $0x189600, s15;
	s15 =	smul.u32 $0x30D40, s22  }
0x14: {  	s18 =	smax.u32 s21, $0x1;
	s21 =	sshrl.u32 s24, $0x3;
	s0 =	sadd.s32 s12, s0  }
0x15: {  	s22 =	simm.s32 $0x14D80;
	[dreg:$0x9] =	wrdreg s25;
	s26 =	sadd.s32 $0x18C800, s0  }
0x16: {  	s24 =	simm.s32 $0xB080;
	s0 =	sadd.s32 $0x18C810, s0;
	[dreg:$0xa] =	wrdreg s26  }
0x17: {  	v0 =	vimm.f32 $0.0e+00;
	s25 =	simm.s32 $0xFF00;
	[dreg:$0xb] =	wrdreg s0;
	s26 =	simm.s32 $0x4E20  }
.LBB2_1:
0x18: {  	s0 =	rddreg [dreg:$0x8]  }
0x19: {  	[spmem:s19], [sflag:s11] =	dma.local [hbm:s0], $0x310  }
0x1a: {  	_ =	swait.ge [sflag:s20], $0x310  }
0x1b: {  	[sflag:s20] =	ssyncset.done $0x0  }
0x1c: {  	s17 =	rddreg [dreg:$0x9];
	[sflag:s20] =	ssyncadd.s32 $0xFFFFFCF0  }
0x1d: {  	[spmem:s21], [sflag:s11] =	dma.local [hbm:s17], $0x310  }
0x1e: {  	_ =	swait.ge [sflag:s20], $0x310  }
0x1f: {  	[sflag:s20] =	ssyncset.done $0x0  }
0x20: {  	s0 =	simm.s32 $0x14DA0;
	[sflag:s20] =	ssyncadd.s32 $0xFFFFFCF0  }
0x21: {  	[tilespmem:s0+$0xFFFFFFE0] =	vst v0  }
0x22: {  	[tilespmem:s0+$0x10] =	vst v0  }
0x23: {  	s3 =	simm.s32 $0x0;
	[tilespmem:s0+$0x0] =	vst v0  }
.LBB2_2:
0x24: {  	s3 =	sadd.s32 $0x4, s3  }
0x25: {  	[tilespmem:s0+$0xFFFFFFF0] =	vst v0;
	s0 =	sadd.s32 $0x40, s0;
	p0 =	slt.u32 s3, $0x4DC  }
.Ltmp0:
0x26: {  	[tilespmem:s0+$0xFFFFFFE0] =	vst v0;
	(pc) =	sbr.rel @p0 .LBB2_2-.Ltmp0, $3  }
0x27: {  	_ =	sdelay $0x1  }
0x28: {  	[tilespmem:s0+$0x10] =	vst v0  }
0x29: {  	[tilespmem:s0+$0x0] =	vst v0  }
0x2a: {  	[tilespmem:s0+$0xFFFFFFF0] =	vst v0  }
0x2b: {  	[tilespmem:$0x19B80] =	vst v0  }
0x2c: {  	[tilespmem:$0x19B90] =	vst v0  }
0x2d: {  	[spmem:s13] =	stream.linear.scatter [tilespmem:s22], [sflag:$0x1], $0x1880, $0x38;
	[tilespmem:$0x1EA80] =	vst v63  }
0x2e: {  	_ =	swait.ge [sflag:s20], $0x1880  }
0x2f: {  	[sflag:s20] =	ssyncset.done $0x0  }
0x30: {  	[sflag:s20] =	ssyncadd.s32 $0xFFFFE780  }
0x31: {  	[spmem:s14] =	stream.linear.scatter [tilespmem:s22], [sflag:$0x1], $0x1880, $0x38;
	[tilespmem:$0x1EA80] =	vst v63  }
0x32: {  	_ =	swait.ge [sflag:s20], $0x1880  }
0x33: {  	[sflag:s20] =	ssyncset.done $0x0  }
0x34: {  	[sflag:s20] =	ssyncadd.s32 $0xFFFFE780  }
0x35: {  	s0 =	simm.s32 $0x0;
	[bflag:$0x0] =	sbarrier.arrive $0xFFFF  }
.LBB2_4:
0x36: {  	s3 =	smul.u32 $0x4E20, s0;
	_ =	sdelay $0x1  }
0x37: {  	s3 =	sadd.s32 s15, s3  }
0x38: {  	s3 =	sshrl.u32 s3, $0x3  }
0x39: {  	s10 =	sadd.s32 s8, s3  }
0x3a: {  	[tilespmem:s23], [sflag:$0x1] =	stream.linear.gather [hbm4b:s10+s7], $0x4E20, $0x38;
	[tilespmem:$0x1EA80] =	vst v63  }
0x3b: {  	_ =	swait.ge [sflag:s20], $0x4E20  }
0x3c: {  	[sflag:s20] =	ssyncset.done $0x0  }
0x3d: {  	s17 =	sadd.s32 s9, s3;
	[sflag:s20] =	ssyncadd.s32 $0xFFFFB1E0  }
0x3e: {  	[tilespmem:s24], [sflag:$0x1] =	stream.linear.gather [hbm4b:s17+s7], $0x4E20, $0x38;
	[tilespmem:$0x1EA80] =	vst v63  }
0x3f: {  	_ =	swait.ge [sflag:s20], $0x4E20  }
0x40: {  	[sflag:s20] =	ssyncset.done $0x0  }
0x41: {  	s3 =	sadd.s32 s1, s3;
	[sflag:s20] =	ssyncadd.s32 $0xFFFFB1E0  }
0x42: {  	[tilespmem:s25], [sflag:$0x1] =	stream.linear.gather [hbm4b:s3+s7], $0x4E20, $0x38;
	[tilespmem:$0x1EA80] =	vst v63  }
0x43: {  	_ =	swait.ge [sflag:s20], $0x4E20  }
0x44: {  	[sflag:s20] =	ssyncset.done $0x0  }
0x45: {  	[sflag:s20] =	ssyncadd.s32 $0xFFFFB1E0  }
0x46: {  	[tilespmem:s22], [sflag:$0x1] =	stream.indirect.gather [spmem:s2], $0x1, s23, s26, $0xb8;
	[tilespmem:$0x1EA80] =	vst v63  }
0x47: {  	_ =	swait.ge [sflag:s20], $0x4E20  }
0x48: {  	[sflag:s20] =	ssyncset.done $0x0  }
0x49: {  	[sflag:s20] =	ssyncadd.s32 $0xFFFFB1E0  }
0x4a: {  	[tilespmem:s28], [sflag:$0x1] =	stream.indirect.gather [spmem:s4], $0x1, s23, s26, $0xb8;
	[tilespmem:$0x1EA80] =	vst v63  }
0x4b: {  	_ =	swait.ge [sflag:s20], $0x4E20  }
0x4c: {  	[sflag:s20] =	ssyncset.done $0x0  }
0x4d: {  	s12 =	simm.s32 $0xFF20;
	[sflag:s20] =	ssyncadd.s32 $0xFFFFB1E0  }
0x4e: {  	s3 =	simm.s32 $0x14DA0;
	v1 =	vld [tilespmem:s12+$0xFFFFFFE0]  }
0x4f: {  	v2 =	vld [tilespmem:s3+$0xFFFFFFE0];
	_ =	sdelay $0x4  }
0x50: {  	v2 =	vmul.f32 v2, v1;
	_ =	sdelay $0x1  }
0x51: {  	s10 =	simm.s32 $0x19C20;
	[tilespmem:s3+$0xFFFFFFE0] =	vst v2  }
0x52: {  	v2 =	vld [tilespmem:s10+$0xFFFFFFE0];
	_ =	sdelay $0x4  }
0x53: {  	v1 =	vmul.f32 v2, v1;
	_ =	sdelay $0x1  }
0x54: {  	[tilespmem:s10+$0xFFFFFFE0] =	vst v1  }
0x55: {  	v1 =	vld [tilespmem:s12+$0xFFFFFFF0]  }
0x56: {  	v2 =	vld [tilespmem:s3+$0xFFFFFFF0];
	_ =	sdelay $0x4  }
0x57: {  	v2 =	vmul.f32 v2, v1;
	_ =	sdelay $0x1  }
0x58: {  	[tilespmem:s3+$0xFFFFFFF0] =	vst v2  }
0x59: {  	v2 =	vld [tilespmem:s10+$0xFFFFFFF0];
	_ =	sdelay $0x4  }
0x5a: {  	v1 =	vmul.f32 v2, v1;
	_ =	sdelay $0x1  }
0x5b: {  	[tilespmem:s10+$0xFFFFFFF0] =	vst v1  }
0x5c: {  	v1 =	vld [tilespmem:s12+$0x0]  }
0x5d: {  	v2 =	vld [tilespmem:s3+$0x0];
	_ =	sdelay $0x4  }
0x5e: {  	v2 =	vmul.f32 v2, v1;
	_ =	sdelay $0x1  }
0x5f: {  	[tilespmem:s3+$0x0] =	vst v2  }
0x60: {  	v2 =	vld [tilespmem:s10+$0x0];
	_ =	sdelay $0x4  }
0x61: {  	v1 =	vmul.f32 v2, v1;
	_ =	sdelay $0x1  }
0x62: {  	[tilespmem:s10+$0x0] =	vst v1  }
0x63: {  	v1 =	vld [tilespmem:s12+$0x10]  }
0x64: {  	v2 =	vld [tilespmem:s3+$0x10];
	_ =	sdelay $0x4  }
0x65: {  	v2 =	vmul.f32 v2, v1;
	_ =	sdelay $0x1  }
0x66: {  	[tilespmem:s3+$0x10] =	vst v2  }
0x67: {  	v2 =	vld [tilespmem:s10+$0x10];
	_ =	sdelay $0x2  }
0x68: {  	s16 =	simm.s32 $0x19C20;
	s17 =	simm.s32 $0xFF60;
	s12 =	simm.s32 $0x0  }
.LBB2_5:
0x69: {  	s12 =	sadd.s32 $0x4, s12;
	s10 =	sadd.s32 $0x40, s10;
	s3 =	sadd.s32 $0x40, s3  }
0x6a: {  	p0 =	slt.u32 s12, $0x4DC;
	v1 =	vmul.f32 v2, v1;
	_ =	sdelay $0x1  }
0x6b: {  	[tilespmem:s16+$0x10] =	vst v1;
	s16 =	smov.u32 s10  }
0x6c: {  	v1 =	vld [tilespmem:s17+$0xFFFFFFE0]  }
0x6d: {  	v2 =	vld [tilespmem:s3+$0xFFFFFFE0];
	_ =	sdelay $0x4  }
0x6e: {  	v2 =	vmul.f32 v2, v1;
	_ =	sdelay $0x1  }
0x6f: {  	[tilespmem:s3+$0xFFFFFFE0] =	vst v2  }
0x70: {  	v2 =	vld [tilespmem:s10+$0xFFFFFFE0];
	_ =	sdelay $0x4  }
0x71: {  	v1 =	vmul.f32 v2, v1;
	_ =	sdelay $0x1  }
0x72: {  	[tilespmem:s10+$0xFFFFFFE0] =	vst v1  }
0x73: {  	v1 =	vld [tilespmem:s17+$0xFFFFFFF0]  }
0x74: {  	v2 =	vld [tilespmem:s3+$0xFFFFFFF0];
	_ =	sdelay $0x4  }
0x75: {  	v2 =	vmul.f32 v2, v1;
	_ =	sdelay $0x1  }
0x76: {  	[tilespmem:s3+$0xFFFFFFF0] =	vst v2  }
0x77: {  	v2 =	vld [tilespmem:s10+$0xFFFFFFF0];
	_ =	sdelay $0x4  }
0x78: {  	v1 =	vmul.f32 v2, v1;
	_ =	sdelay $0x1  }
0x79: {  	[tilespmem:s10+$0xFFFFFFF0] =	vst v1  }
0x7a: {  	v1 =	vld [tilespmem:s17+$0x0]  }
0x7b: {  	v2 =	vld [tilespmem:s3+$0x0];
	_ =	sdelay $0x4  }
0x7c: {  	v2 =	vmul.f32 v2, v1;
	_ =	sdelay $0x1  }
0x7d: {  	[tilespmem:s3+$0x0] =	vst v2  }
0x7e: {  	v2 =	vld [tilespmem:s10+$0x0];
	_ =	sdelay $0x4  }
0x7f: {  	v1 =	vmul.f32 v2, v1;
	_ =	sdelay $0x1  }
0x80: {  	[tilespmem:s10+$0x0] =	vst v1  }
0x81: {  	v1 =	vld [tilespmem:s17+$0x10]  }
0x82: {  	v2 =	vld [tilespmem:s3+$0x10];
	_ =	sdelay $0x4  }
0x83: {  	v2 =	vmul.f32 v2, v1;
	_ =	sdelay $0x1  }
.Ltmp1:
0x84: {  	[tilespmem:s3+$0x10] =	vst v2;
	(pc) =	sbr.rel @p0 .LBB2_5-.Ltmp1, $2  }
0x85: {  	v2 =	vld [tilespmem:s10+$0x10];
	_ =	sdelay $0x2  }
0x86: {  	s17 =	sadd.s32 $0x40, s17  }
0x87: {  	_ = 	snop  }
0x88: {  	v1 =	vmul.f32 v2, v1;
	_ =	sdelay $0x1  }
0x89: {  	[tilespmem:s16+$0x10] =	vst v1  }
0x8a: {  	v1 =	vld [tilespmem:$0x14D00]  }
0x8b: {  	v2 =	vld [tilespmem:$0x19B80]  }
0x8c: {  	v3 =	vld [tilespmem:$0x1EA00]  }
0x8d: {  	v4 =	vld [tilespmem:$0x14D10]  }
0x8e: {  	v5 =	vld [tilespmem:$0x19B90]  }
0x8f: {  	v6 =	vld [tilespmem:$0x1EA10];
	_ =	sdelay $0x1  }
0x90: {  	v2 =	vmul.f32 v2, v1  }
0x91: {  	v1 =	vmul.f32 v3, v1  }
0x92: {  	[tilespmem:$0x19B80] =	vst v2;
	v2 =	vmul.f32 v5, v4  }
0x93: {  	[tilespmem:$0x1EA00] =	vst v1;
	v1 =	vmul.f32 v6, v4  }
0x94: {  	[tilespmem:$0x19B90] =	vst v2  }
0x95: {  	[tilespmem:$0x1EA10] =	vst v1  }
0x96: {  	[spmem:s5] =	stream.indirect.scatter.add.f32 [tilespmem:s22], [sflag:$0x1], $0x1, s24, s26, $0xb8;
	[tilespmem:$0x1EA80] =	vst v63  }
0x97: {  	s0 =	sadd.s32 $0x1, s0;
	_ =	swait.ge [sflag:s20], $0x4E20  }
0x98: {  	p0 =	sne.s32 s0, $0xA;
	[sflag:s20] =	ssyncset.done $0x0  }
.Ltmp2:
0x99: {  	[sflag:s20] =	ssyncadd.s32 $0xFFFFB1E0;
	(pc) =	sbr.rel @p0 .LBB2_4-.Ltmp2, $4  }
0x9a: {  	[spmem:s6] =	stream.indirect.scatter.add.f32 [tilespmem:s28], [sflag:$0x1], $0x1, s24, s26, $0xb8;
	[tilespmem:$0x1EA80] =	vst v63  }
0x9b: {  	_ =	swait.ge [sflag:s20], $0x4E20  }
0x9c: {  	[sflag:s20] =	ssyncset.done $0x0  }
0x9d: {  	[sflag:s20] =	ssyncadd.s32 $0xFFFFB1E0  }
0x9e: {  	[bflag:$0x0] =	sbarrier.arrive $0xFFFF  }
0x9f: {  	s0 =	sshrl.u32 s13, $0x3;
	s3 =	rddreg [dreg:$0xa]  }
0xa0: {  	[hbm:s3@s29], [sflag:s11] =	dma.strided [spmem:s0@s30], $0x310, s20, $0x10   }
0xa1: {  	s31 =	sadd.s32 $0x1, s31;
	_ =	swait.ge [sflag:s20], $0x310  }
0xa2: {  	s16 =	sshrl.u32 s14, $0x3;
	p0 =	sne.s32 s31, s18;
	[sflag:s20] =	ssyncset.done $0x0  }
.Ltmp3:
0xa3: {  	s17 =	rddreg [dreg:$0xb];
	[sflag:s20] =	ssyncadd.s32 $0xFFFFFCF0;
	(pc) =	sbr.rel @p0 .LBB2_1-.Ltmp3, $4  }
0xa4: {  	[hbm:s17@s29], [sflag:s11] =	dma.strided [spmem:s16@s30], $0x310, s20, $0x10   }
0xa5: {  	_ =	swait.ge [sflag:s20], $0x310  }
0xa6: {  	[sflag:s20] =	ssyncset.done $0x0  }
0xa7: {  	[sflag:s20] =	ssyncadd.s32 $0xFFFFFCF0  }
0xa8: {  	_ =	sfence.sel $0x180000  }
0xa9: {  	[bflag:$0x0] =	sbarrier.arrive $0xFFFF  }
0xaa: {  	_ =	strace $0x9000004D  }
0xab: {  	s0 =	stileid.u32;
	[bflag:$0x2] =	sbarrier.arrive $0xFFFF  }
0xac: {  	p0 =	sne.s32 s0, $0x0;
	s0 =	rddreg [dreg:$0x7]  }
0xad: {  	s0 =	sadd.s32 @!p0 $0x100000, s0  }
0xae: {  	[sflag:s0] =	ssyncadd.tile.s32 @!p0 $0x1;
	_ =	shalt  }
.Lfunc_end2:
_tile_overlayer_lowered:
.L_overlay_start_2:
0xaf: {  	(tag) =	ssettag $0x2  }
0xb0: {  	s0 =	rddreg [dreg:$0x0];
	s2 =	stileid.u32  }
0xb1: {  	s1 =	rddreg [dreg:$0x1];
	p0 =	sne.s32 s2, $0x0  }
0xb2: {  	s3 =	rddreg [dreg:$0x2];
	[bflag:$0x3] =	sbarrier.arrive $0xFFFF;
	s2 =	simm.s32 @!p0 $0x1C01  }
0xb3: {  	[timem:s3], [sflag:s2] =	dma.local @!p0 [hbm:s0], s1  }
0xb4: {  	s0 =	simm.s32 @!p0 $0x1  }
0xb5: {  	_ =	swait.ge @!p0 [sflag:s0], s1  }
0xb6: {  	s1 =	ssub.s32 @!p0 $0x0, s1;
	[sflag:s0] =	ssyncset.done @!p0 $0x0  }
0xb7: {  	[sflag:s0] =	ssyncadd.s32 @!p0 s1  }
0xb8: {  	[bflag:$0x3] =	sbarrier.arrive $0xFFFF  }
0xb9: {  	_ =	shalt  }

// kernel: kernel.8.cloned.1.call-start
scs
__scs_entry_jumppad:
0x0: {  	(pc) =	sbr.rel $0x88, $3  }
0x1: {  	(tag) =	ssettag $0x0;
	lr =	simm.s32 $0x1  }
0x2: {  	[smem:$0x3F9A] =	sst lr;
	_ =	strace $0xD0000000  }
0x3: {  	_ = 	snop  }
0x4: {  	_ = 	snop  }
0x5: {  	_ = 	snop  }
0x6: {  	_ = 	snop  }
0x7: {  	_ = 	snop  }
__scs_overlays_trampoline_lowered:
0x8: {  	[smem:$0x3FA9] =	sst s0  }
0x9: {  	[smem:$0x3FAA] =	sst s1  }
0xa: {  	[smem:$0x3FAB] =	sst s2  }
0xb: {  	[smem:$0x3FAC] =	sst s3  }
0xc: {  	[smem:$0x3FAD] =	sst s4  }
0xd: {  	[smem:$0x3FAE] =	sst s5  }
0xe: {  	[smem:$0x3FAF] =	sst s6  }
0xf: {  	[smem:$0x3FB0] =	sst s7  }
0x10: {  	[smem:$0x3FB1] =	sst s8  }
0x11: {  	[smem:$0x3FB2] =	sst s9;
	s0 =	simm.s32 @!p0 $0x0  }
0x12: {  	s1 =	sld [smem:$0x3F98];
	s0 =	simm.s32 @p0 $0x1  }
0x13: {  	[smem:$0x3FB3] =	sst s0;
	s0 =	simm.s32 @!p1 $0x0  }
0x14: {  	s2 =	sld [smem:$0x3F97];
	s0 =	simm.s32 @p1 $0x1  }
0x15: {  	[smem:$0x3FB4] =	sst s0;
	s0 =	simm.s32 @!p2 $0x0  }
0x16: {  	s3 =	sld [smem:$0x3FDB];
	s0 =	simm.s32 @p2 $0x1  }
0x17: {  	s4 =	simm.s32 $0x1BF5;
	[smem:$0x3FB6] =	sst s0  }
0x18: {  	s0 =	sld [smem:$0x3F99];
	_ =	swait.ge [sflag:s4], $0x0  }
0x19: {  	s7 =	sld [smem:$0x3F9A]  }
0x1a: {  	s8 =	sadd.s32 $0xFFFFE003, lr  }
0x1b: {  	s9 =	sadd.s32 $0xFFFFFEF7, lr;
	s5 =	simm.s32 $0xFFFFFFFF;
	p2 =	slt.u32 s8, $0xFFFFF086  }
0x1c: {  	p1 =	slt.u32 s9, $0xF7A;
	s5 =	simm.s32 @!p2 $0x0  }
0x1d: {  	s5 =	simm.s32 @p1 $0x1;
	p0 =	seq.s32 s7, s2  }
0x1e: {  	s7 =	smul.u32 @!p0 $0xF7A, s2;
	p2 =	seq.s32 @!p0 s5, $0x0  }
0x1f: {  	s9 =	smul.u32 $0xF7A, s1;
	s8 =	simm.s32 @!p0 $0x1BF5;
	p2 =	por !p2, p0  }
0x20: {  	[sflag:s8] =	ssyncset.s32 @!p0 $0xFFFFF086;
	s6 =	sadd.s32 @!p0 s3, s7;
	s7 =	simm.s32 @!p0 $0x108  }
0x21: {  	s3 =	sadd.s32 s3, s9;
	s6 =	sadd.s32 @!p0 $0x88, s6;
	s7 =	simm.s32 @p2 $0x1082  }
0x22: {  	[simem:s7], [sflag:s8] =	dma.local @!p0 [hbm:s6], $0xF7A  }
0x23: {  	s9 =	sor.u32 $0xD0000000, s2;
	s6 =	simm.s32 $0x108;
	_ =	swait.ge @!p0 [sflag:s8], $0x0  }
0x24: {  	s3 =	sadd.s32 $0x88, s3;
	s6 =	simm.s32 @!p1 $0x1082;
	[sflag:s4] =	ssyncset.s32 $0xFFFFF086  }
0x25: {  	[simem:s6], [sflag:s4] =	dma.local [hbm:s3], $0xF7A  }
0x26: {  	[smem:$0x3F9A] =	sst s1;
	(tag) =	ssettag s2;
	_ =	strace s9  }
0x27: {  	s1 =	sld [smem:$0x3FAA]  }
0x28: {  	s2 =	sld [smem:$0x3FAB]  }
0x29: {  	s4 =	sld [smem:$0x3FAD]  }
0x2a: {  	p0 =	seq.s32 s5, $0x0;
	s5 =	sld [smem:$0x3FAE]  }
0x2b: {  	s6 =	sld [smem:$0x3FAF]  }
0x2c: {  	s7 =	sld [smem:$0x3FB0]  }
0x2d: {  	s3 =	simm.s32 $0x108;
	s8 =	sld [smem:$0x3FB1]  }
0x2e: {  	s3 =	simm.s32 @!p0 $0x1082;
	s9 =	sld [smem:$0x3FB2]  }
0x2f: {  	lr =	sadd.s32 s0, s3;
	s0 =	sld [smem:$0x3FA9]  }
0x30: {  	s3 =	sld [smem:$0x3FAC]  }
0x31: {  	[smem:$0x3FB5] =	sst s10  }
0x32: {  	s10 =	sld [smem:$0x3FB3];
	_ =	sdelay $0x3  }
0x33: {  	p0 =	seq.s32 s10, $0x1;
	s10 =	sld [smem:$0x3FB5];
	_ =	sdelay $0x3  }
0x34: {  	[smem:$0x3FB5] =	sst s10  }
0x35: {  	s10 =	sld [smem:$0x3FB4];
	_ =	sdelay $0x3  }
0x36: {  	p1 =	seq.s32 s10, $0x1;
	s10 =	sld [smem:$0x3FB5];
	_ =	sdelay $0x3  }
0x37: {  	[smem:$0x3FB5] =	sst s10  }
0x38: {  	s10 =	sld [smem:$0x3FB6]  }
0x39: {  	_ = 	snop;
	(pc) =	sbr.ind lr, $3  }
0x3a: {  	_ = 	snop  }
0x3b: {  	_ = 	snop  }
0x3c: {  	p2 =	seq.s32 s10, $0x1;
	s10 =	sld [smem:$0x3FB5]  }
0x3d: {  	_ =	shalt  }
0x3e: {  	_ =	shalt  }
0x3f: {  	_ =	shalt  }
0x40: {  	_ =	shalt  }
0x41: {  	_ =	shalt  }
0x42: {  	_ =	shalt  }
0x43: {  	_ =	shalt  }
0x44: {  	_ =	shalt  }
0x45: {  	_ =	shalt  }
0x46: {  	_ =	shalt  }
0x47: {  	_ =	shalt  }
0x48: {  	_ =	shalt  }
0x49: {  	_ =	shalt  }
0x4a: {  	_ =	shalt  }
0x4b: {  	_ =	shalt  }
0x4c: {  	_ =	shalt  }
0x4d: {  	_ =	shalt  }
0x4e: {  	_ =	shalt  }
0x4f: {  	_ =	shalt  }
0x50: {  	_ =	shalt  }
0x51: {  	_ =	shalt  }
0x52: {  	_ =	shalt  }
0x53: {  	_ =	shalt  }
0x54: {  	_ =	shalt  }
0x55: {  	_ =	shalt  }
0x56: {  	_ =	shalt  }
0x57: {  	_ =	shalt  }
0x58: {  	_ =	shalt  }
0x59: {  	_ =	shalt  }
0x5a: {  	_ =	shalt  }
0x5b: {  	_ =	shalt  }
0x5c: {  	_ =	shalt  }
0x5d: {  	_ =	shalt  }
0x5e: {  	_ =	shalt  }
0x5f: {  	_ =	shalt  }
0x60: {  	_ =	shalt  }
0x61: {  	_ =	shalt  }
0x62: {  	_ =	shalt  }
0x63: {  	_ =	shalt  }
0x64: {  	_ =	shalt  }
0x65: {  	_ =	shalt  }
0x66: {  	_ =	shalt  }
0x67: {  	_ =	shalt  }
0x68: {  	_ =	shalt  }
0x69: {  	_ =	shalt  }
0x6a: {  	_ =	shalt  }
0x6b: {  	_ =	shalt  }
0x6c: {  	_ =	shalt  }
0x6d: {  	_ =	shalt  }
0x6e: {  	_ =	shalt  }
0x6f: {  	_ =	shalt  }
0x70: {  	_ =	shalt  }
0x71: {  	_ =	shalt  }
0x72: {  	_ =	shalt  }
0x73: {  	_ =	shalt  }
0x74: {  	_ =	shalt  }
0x75: {  	_ =	shalt  }
0x76: {  	_ =	shalt  }
0x77: {  	_ =	shalt  }
0x78: {  	_ =	shalt  }
0x79: {  	_ =	shalt  }
0x7a: {  	_ =	shalt  }
0x7b: {  	_ =	shalt  }
0x7c: {  	_ =	shalt  }
0x7d: {  	_ =	shalt  }
0x7e: {  	_ =	shalt  }
0x7f: {  	_ =	shalt  }
0x80: {  	_ =	shalt  }
0x81: {  	_ =	shalt  }
0x82: {  	_ =	shalt  }
0x83: {  	_ =	shalt  }
0x84: {  	_ =	shalt  }
0x85: {  	_ =	shalt  }
0x86: {  	_ =	shalt  }
0x87: {  	_ =	shalt  }
.Lfunc_end0:
.L_simem_size_0:
called_computation_lowered:
.L_overlay_start_0:
0x88: {  	s2 =	sld [smem:$0x3FD9]  }
0x89: {  	s3 =	sld [smem:$0x3FFE];
	_ =	sdelay $0x1  }
0x8a: {  	s1 =	srdreg.scid  }
0x8b: {  	s0 =	sand.u32 $0x1, s1  }
0x8c: {  	s17 =	sshll.u32 s0, $0xA;
	s2 =	sadd.s32 s3, s2  }
0x8d: {  	s2 =	sadd.s32 s2, s17  }
0x8e: {  	[smem:$0x3FC1] =	sst s2  }
0x8f: {  	_ = 	snop  }
0x90: {  	s2 =	sld [smem:$0x3FC7];
	(tm) =	ssettm $0x1  }
0x91: {  	s18 =	sld [smem:$0x3FFB];
	_ =	sdelay $0x3  }
0x92: {  	_ =	strace s18  }
0x93: {  	s3 =	sld [smem:$0x3FFC];
	_ =	sdelay $0x3  }
0x94: {  	_ =	strace s3  }
0x95: {  	s3 =	sld [smem:$0x3FFD];
	_ =	sdelay $0x3  }
0x96: {  	_ =	strace s3  }
0x97: {  	_ =	strace $0x8FFFFFFF  }
0x98: {  	s19 =	sld [smem:$0x3FDB];
	_ =	sdelay $0x1  }
0x99: {  	s4 =	simm.s32 $_scs_section_size  }
0x9a: {  	s5 =	simm.s32 $_size__tile_overlayer_lowered;
	s6 =	simm.s32 $_tile_overlayer_lowered  }
0x9b: {  	s22 =	simm.s32 $0x1BFF;
	s21 =	sshll.u32 s6, $0x1;
	s3 =	sadd.s32 s4, s19  }
0x9c: {  	s7 =	simm.s32 $0x0;
	s20 =	sshll.u32 s5, $0x1;
	s5 =	sadd.s32 s21, s3  }
0x9d: {  	[timem:s7], [sflag:s22] =	dma.local [hbm:s5], s20  }
0x9e: {  	_ =	swait.ge [sflag:s22], s20  }
0x9f: {  	s4 =	ssub.s32 $0x0, s20;
	[sflag:s22] =	ssyncset.done $0x0  }
0xa0: {  	[sflag:s22] =	ssyncadd.s32 s4;
	_ =	sdelay $0x1  }
0xa1: {  	s23 =	simm.s32 $0x1B8B  }
0xa2: {  	_ =	swait.ge [sflag:s23], $0x1  }
0xa3: {  	[sflag:s23] =	ssyncset.done $0x0  }
0xa4: {  	s25 =	simm.s32 $0x1B8E;
	s24 =	sld [smem:$0x3FFE];
	[sflag:s23] =	ssyncadd.s32 $0xFFFFFFFF  }
0xa5: {  	s26 =	simm.s32 $execute0_lowered;
	[smem:$0x3FD2] =	sst s25  }
0xa6: {  	s5 =	sshll.u32 s26, $0x1;
	_ =	strace $0x80000046;
	[dreg:$0x1] =	wrdreg $0xFFFFFFFF  }
0xa7: {  	s28 =	simm.s32 $_size_execute0_lowered;
	s3 =	sadd.s32 s3, s5;
	[dreg:$0x0] =	wrdreg $0x0  }
0xa8: {  	s5 =	sshll.u32 s28, $0x1;
	[dreg:$0x2] =	wrdreg s3  }
0xa9: {  	[dreg:$0x3] =	wrdreg s5  }
0xaa: {  	[dreg:$0x4] =	wrdreg $0xC0  }
0xab: {  	_ =	task [dreg:s7], $0x5FFFF  }
0xac: {  	[dreg:$0x1] =	wrdreg $0xFFFFFFFF  }
0xad: {  	[dreg:$0x0] =	wrdreg $0x60  }
0xae: {  	[dreg:$0x2] =	wrdreg s24  }
0xaf: {  	[dreg:$0x3] =	wrdreg s2  }
0xb0: {  	[dreg:$0x4] =	wrdreg $0x0  }
0xb1: {  	[dreg:$0x5] =	wrdreg $0x9  }
0xb2: {  	_ =	task.clear_ibuf [dreg:s7], $0x6FFFF;
	_ =	strace $0x90000046  }
0xb3: {  	s29 =	simm.s32 $0x9;
	_ =	strace $0x80000048  }
0xb4: {  	_ =	swait.ge [sflag:s29], $0x1  }
0xb5: {  	[sflag:s29] =	ssyncadd.s32 $0xFFFFFFFF  }
0xb6: {  	_ =	strace $0x90000048  }
0xb7: {  	_ =	sfence  }
0xb8: {  	s30 =	sld [smem:$0x0];
	_ =	sdelay $0x2  }
0xb9: {  	s31 =	sshll.u32 s1, $0xD;
	s1 =	sshrl.u32 s1, $0x2  }
0xba: {  	s3 =	sand.u32 $0x4000, s31;
	s1 =	sadd.s32 s1, s30  }
0xbb: {  	s0 =	sor.u32 s3, s0;
	s1 =	sshll.u32 s1, $0x11  }
0xbc: {  	s0 =	sor.u32 s1, s0  }
0xbd: {  	s0 =	sadd.s32 $0x8F2B, s0  }
0xbe: {  	[sflag:s0] =	ssyncadd.remote.s32 $0x1  }
0xbf: {  	_ =	sfence.sel $0xFFFF  }
0xc0: {  	[dreg:$0x0] =	wrdreg $0xFFFFFFFF;
	(pc) =	sbr.abs _section_cstart, $3  }
0xc1: {  	[dreg:$0x1] =	wrdreg $0xFFFFFFFF  }
0xc2: {  	_ =	task.clear_ibuf [dreg:s7], $0x2FFFF;
	_ =	strace $0x9FFFFFFF  }
0xc3: {  	(tm) =	ssettm $0x7FFFFFFF  }
tec
execute0_lowered:
.L_overlay_start_1:
0x0: {  	(tag) =	ssettag $0x1  }
0x1: {  	s4 =	rddreg [dreg:$0x0]  }
0x2: {  	s16 =	rddreg [dreg:$0x1]  }
0x3: {  	s1 =	rddreg [dreg:$0x2]  }
0x4: {  	s0 =	rddreg [dreg:$0x3];
	s3 =	simm.s32 $0x0  }
0x5: {  	s5 =	srdreg.scid;
	s2 =	stileid.u32;
	s18 =	simm.s32 $0x1  }
0x6: {  	s19 =	simm.s32 $0x1880;
	s20 =	simm.s32 $0xB500;
	s21 =	simm.s32 $0x9C40  }
0x7: {  	s22 =	simm.s32 $0x20;
	s23 =	simm.s32 $0x10;
	s24 =	simm.s32 $0x0  }
0x8: {  	[smem:$0x7FF] =	sst s3;
	s5 =	sand.u32 $0x1, s5;
	s6 =	smul.u32 $0x3100, s2  }
0x9: {  	s15 =	sadd.s32 $0xC6000, s4;
	s30 =	smul.u32 $0x6200, s2;
	_ =	strace $0x80000047  }
0xa: {  	s7 =	sshll.u32 s5, $0x7;
	s8 =	sshll.u32 s5, $0x4;
	s5 =	ssub.s32 $0x2, s5  }
0xb: {  	s6 =	sor.u32 s7, s6;
	s29 =	sor.u32 s2, s8;
	s31 =	sshrl.u32 s5, $0x1  }
0xc: {  	s8 =	sshrl.u32 s30, $0x2;
	s6 =	sshrl.u32 s6, $0x3;
	s7 =	smul.u32 $0x30D40, s29  }
0xd: {  	s9 =	ssub.s32 s5, s31;
	s6 =	sadd.s32 s6, s4;
	s4 =	sadd.s32 s8, s1  }
0xe: {  	s13 =	sshrl.u32 s7, $0x3;
	s5 =	sadd.s32 $0x189600, s6;
	s7 =	smax.u32 s9, $0x1  }
0xf: {  	s6 =	sadd.s32 s15, s13;
	s8 =	sadd.s32 s16, s13;
	s10 =	sadd.s32 $0x1388, s13  }
0x10: {  	s12 =	sadd.s32 $0x2710, s13;
	s14 =	sadd.s32 $0x3A98, s13;
	s17 =	sadd.s32 $0x4E20, s13  }
0x11: {  	s9 =	sadd.s32 s15, s10;
	s10 =	sadd.s32 s16, s10;
	s11 =	sadd.s32 s15, s12  }
0x12: {  	s12 =	sadd.s32 s16, s12;
	s13 =	sadd.s32 s15, s14;
	s14 =	sadd.s32 s16, s14  }
0x13: {  	v0 =	vimm.f32 $0.0e+00;
	s15 =	sadd.s32 s15, s17;
	s16 =	sadd.s32 s16, s17;
	s17 =	simm.s32 $0x15180  }
.LBB2_1:
0x14: {  	s25 =	simm.s32 $0x151A0  }
0x15: {  	[tilespmem:s25+$0xFFFFFFE0] =	vst v0  }
0x16: {  	[tilespmem:s25+$0x10] =	vst v0  }
0x17: {  	s26 =	simm.s32 $0x0;
	[tilespmem:s25+$0x0] =	vst v0  }
.LBB2_2:
0x18: {  	s26 =	sadd.s32 $0x4, s26  }
0x19: {  	[tilespmem:s25+$0xFFFFFFF0] =	vst v0;
	s25 =	sadd.s32 $0x40, s25;
	p0 =	slt.u32 s26, $0x184  }
.Ltmp0:
0x1a: {  	[tilespmem:s25+$0xFFFFFFE0] =	vst v0;
	(pc) =	sbr.rel @p0 .LBB2_2-.Ltmp0, $3  }
0x1b: {  	_ =	sdelay $0x1  }
0x1c: {  	[tilespmem:s25+$0x10] =	vst v0  }
0x1d: {  	[tilespmem:s25+$0x0] =	vst v0  }
0x1e: {  	[tilespmem:s25+$0xFFFFFFF0] =	vst v0  }
0x1f: {  	[spmem:s4] =	stream.linear.scatter [tilespmem:s17], [sflag:$0x1], $0x1880, $0x38;
	[tilespmem:$0x16A00] =	vst v63  }
0x20: {  	_ =	swait.ge [sflag:s18], $0x1880  }
0x21: {  	[sflag:s18] =	ssyncset.done $0x0  }
0x22: {  	[sflag:s18] =	ssyncadd.s32 $0xFFFFE780  }
0x23: {  	[bflag:$0x0] =	sbarrier.arrive $0xFFFF  }
0x24: {  	[tilespmem:s19], [sflag:$0x1] =	stream.linear.gather [hbm4b:s6+s3], $0x9C40, $0x38;
	[tilespmem:$0x16A00] =	vst v63  }
0x25: {  	_ =	swait.ge [sflag:s18], $0x9C40  }
0x26: {  	[sflag:s18] =	ssyncset.done $0x0  }
0x27: {  	[sflag:s18] =	ssyncadd.s32 $0xFFFF63C0  }
0x28: {  	[tilespmem:s20], [sflag:$0x1] =	stream.linear.gather [hbm4b:s8+s3], $0x9C40, $0x38;
	[tilespmem:$0x16A00] =	vst v63  }
0x29: {  	_ =	swait.ge [sflag:s18], $0x9C40  }
0x2a: {  	[sflag:s18] =	ssyncset.done $0x0  }
0x2b: {  	[sflag:s18] =	ssyncadd.s32 $0xFFFF63C0  }
0x2c: {  	[spmem:s1] =	stream.indirect.scatter.add.f32 [tilespmem:s20], [sflag:$0x1], $0x1, s19, s21, $0xb8;
	[tilespmem:$0x16A00] =	vst v63  }
0x2d: {  	_ =	swait.ge [sflag:s18], $0x9C40  }
0x2e: {  	[sflag:s18] =	ssyncset.done $0x0  }
0x2f: {  	[sflag:s18] =	ssyncadd.s32 $0xFFFF63C0  }
0x30: {  	[tilespmem:s19], [sflag:$0x1] =	stream.linear.gather [hbm4b:s9+s3], $0x9C40, $0x38;
	[tilespmem:$0x16A00] =	vst v63  }
0x31: {  	_ =	swait.ge [sflag:s18], $0x9C40  }
0x32: {  	[sflag:s18] =	ssyncset.done $0x0  }
0x33: {  	[sflag:s18] =	ssyncadd.s32 $0xFFFF63C0  }
0x34: {  	[tilespmem:s20], [sflag:$0x1] =	stream.linear.gather [hbm4b:s10+s3], $0x9C40, $0x38;
	[tilespmem:$0x16A00] =	vst v63  }
0x35: {  	_ =	swait.ge [sflag:s18], $0x9C40  }
0x36: {  	[sflag:s18] =	ssyncset.done $0x0  }
0x37: {  	[sflag:s18] =	ssyncadd.s32 $0xFFFF63C0  }
0x38: {  	[spmem:s1] =	stream.indirect.scatter.add.f32 [tilespmem:s20], [sflag:$0x1], $0x1, s19, s21, $0xb8;
	[tilespmem:$0x16A00] =	vst v63  }
0x39: {  	_ =	swait.ge [sflag:s18], $0x9C40  }
0x3a: {  	[sflag:s18] =	ssyncset.done $0x0  }
0x3b: {  	[sflag:s18] =	ssyncadd.s32 $0xFFFF63C0  }
0x3c: {  	[tilespmem:s19], [sflag:$0x1] =	stream.linear.gather [hbm4b:s11+s3], $0x9C40, $0x38;
	[tilespmem:$0x16A00] =	vst v63  }
0x3d: {  	_ =	swait.ge [sflag:s18], $0x9C40  }
0x3e: {  	[sflag:s18] =	ssyncset.done $0x0  }
0x3f: {  	[sflag:s18] =	ssyncadd.s32 $0xFFFF63C0  }
0x40: {  	[tilespmem:s20], [sflag:$0x1] =	stream.linear.gather [hbm4b:s12+s3], $0x9C40, $0x38;
	[tilespmem:$0x16A00] =	vst v63  }
0x41: {  	_ =	swait.ge [sflag:s18], $0x9C40  }
0x42: {  	[sflag:s18] =	ssyncset.done $0x0  }
0x43: {  	[sflag:s18] =	ssyncadd.s32 $0xFFFF63C0  }
0x44: {  	[spmem:s1] =	stream.indirect.scatter.add.f32 [tilespmem:s20], [sflag:$0x1], $0x1, s19, s21, $0xb8;
	[tilespmem:$0x16A00] =	vst v63  }
0x45: {  	_ =	swait.ge [sflag:s18], $0x9C40  }
0x46: {  	[sflag:s18] =	ssyncset.done $0x0  }
0x47: {  	[sflag:s18] =	ssyncadd.s32 $0xFFFF63C0  }
0x48: {  	[tilespmem:s19], [sflag:$0x1] =	stream.linear.gather [hbm4b:s13+s3], $0x9C40, $0x38;
	[tilespmem:$0x16A00] =	vst v63  }
0x49: {  	_ =	swait.ge [sflag:s18], $0x9C40  }
0x4a: {  	[sflag:s18] =	ssyncset.done $0x0  }
0x4b: {  	[sflag:s18] =	ssyncadd.s32 $0xFFFF63C0  }
0x4c: {  	[tilespmem:s20], [sflag:$0x1] =	stream.linear.gather [hbm4b:s14+s3], $0x9C40, $0x38;
	[tilespmem:$0x16A00] =	vst v63  }
0x4d: {  	_ =	swait.ge [sflag:s18], $0x9C40  }
0x4e: {  	[sflag:s18] =	ssyncset.done $0x0  }
0x4f: {  	[sflag:s18] =	ssyncadd.s32 $0xFFFF63C0  }
0x50: {  	[spmem:s1] =	stream.indirect.scatter.add.f32 [tilespmem:s20], [sflag:$0x1], $0x1, s19, s21, $0xb8;
	[tilespmem:$0x16A00] =	vst v63  }
0x51: {  	_ =	swait.ge [sflag:s18], $0x9C40  }
0x52: {  	[sflag:s18] =	ssyncset.done $0x0  }
0x53: {  	[sflag:s18] =	ssyncadd.s32 $0xFFFF63C0  }
0x54: {  	[tilespmem:s19], [sflag:$0x1] =	stream.linear.gather [hbm4b:s15+s3], $0x9C40, $0x38;
	[tilespmem:$0x16A00] =	vst v63  }
0x55: {  	_ =	swait.ge [sflag:s18], $0x9C40  }
0x56: {  	[sflag:s18] =	ssyncset.done $0x0  }
0x57: {  	[sflag:s18] =	ssyncadd.s32 $0xFFFF63C0  }
0x58: {  	[tilespmem:s20], [sflag:$0x1] =	stream.linear.gather [hbm4b:s16+s3], $0x9C40, $0x38;
	[tilespmem:$0x16A00] =	vst v63  }
0x59: {  	_ =	swait.ge [sflag:s18], $0x9C40  }
0x5a: {  	[sflag:s18] =	ssyncset.done $0x0  }
0x5b: {  	[sflag:s18] =	ssyncadd.s32 $0xFFFF63C0  }
0x5c: {  	[spmem:s1] =	stream.indirect.scatter.add.f32 [tilespmem:s20], [sflag:$0x1], $0x1, s19, s21, $0xb8;
	[tilespmem:$0x16A00] =	vst v63  }
0x5d: {  	_ =	swait.ge [sflag:s18], $0x9C40  }
0x5e: {  	s31 =	sshll.u32 s2, $0x6;
	s24 =	sadd.s32 $0x1, s24;
	[sflag:s18] =	ssyncset.done $0x0  }
0x5f: {  	s26 =	sshrl.u32 s4, $0x3;
	p0 =	sne.s32 s24, s7;
	[sflag:s18] =	ssyncadd.s32 $0xFFFF63C0  }
.Ltmp1:
0x60: {  	s25 =	sor.u32 $0x1C01, s31;
	[bflag:$0x0] =	sbarrier.arrive $0xFFFF;
	(pc) =	sbr.rel @p0 .LBB2_1-.Ltmp1, $4  }
0x61: {  	[hbm:s5@s22], [sflag:s25] =	dma.strided [spmem:s26@s23], $0x310, s18, $0x10   }
0x62: {  	_ =	swait.ge [sflag:s18], $0x310  }
0x63: {  	[sflag:s18] =	ssyncset.done $0x0  }
0x64: {  	[sflag:s18] =	ssyncadd.s32 $0xFFFFFCF0  }
0x65: {  	_ =	sfence.sel $0x180000  }
0x66: {  	[bflag:$0x0] =	sbarrier.arrive $0xFFFF  }
0x67: {  	p0 =	sne.s32 s2, $0x0;
	_ =	strace $0x90000047  }
0x68: {  	s0 =	sadd.s32 @!p0 $0x100000, s0;
	[bflag:$0x2] =	sbarrier.arrive $0xFFFF  }
0x69: {  	[sflag:s0] =	ssyncadd.tile.s32 @!p0 $0x1;
	_ =	shalt  }
.Lfunc_end2:
_tile_overlayer_lowered:
.L_overlay_start_2:
0x6a: {  	(tag) =	ssettag $0x2  }
0x6b: {  	s0 =	rddreg [dreg:$0x0];
	s2 =	stileid.u32  }
0x6c: {  	s1 =	rddreg [dreg:$0x1];
	p0 =	sne.s32 s2, $0x0  }
0x6d: {  	s3 =	rddreg [dreg:$0x2];
	[bflag:$0x3] =	sbarrier.arrive $0xFFFF;
	s2 =	simm.s32 @!p0 $0x1C01  }
0x6e: {  	[timem:s3], [sflag:s2] =	dma.local @!p0 [hbm:s0], s1  }
0x6f: {  	s0 =	simm.s32 @!p0 $0x1  }
0x70: {  	_ =	swait.ge @!p0 [sflag:s0], s1  }
0x71: {  	s1 =	ssub.s32 @!p0 $0x0, s1;
	[sflag:s0] =	ssyncset.done @!p0 $0x0  }
0x72: {  	[sflag:s0] =	ssyncadd.s32 @!p0 s1  }
0x73: {  	[bflag:$0x3] =	sbarrier.arrive $0xFFFF  }
0x74: {  	_ =	shalt  }

</sc_bundles>
